<compile_context>
chip_gen: v7x
topology: tpu7x:2x2x1
jax: 0.10.2.dev20260603
libtpu: 0.0.44.dev20260713+nightly
codegen_flags: <defaults>
</compile_context>

<pallas_src>
import jax
import jax.numpy as jnp
from jax import lax
from jax.experimental import pallas as pl
from jax.experimental.pallas import tpu as pltpu
from jax.experimental.pallas import tpu_sc as plsc

N = 50000
D = 256
G = 512

BR = 4096
NTB = 8
R0 = NTB * BR

NSC = 2
NSUB = 16
CHUNK = 128
NFULL = (N - R0) // CHUNK
TAIL = N - R0 - NFULL * CHUNK
DHALF = D // NSC
SEG_PER_SUB = G // NSUB
CPS = -(-NFULL // NSUB)
NB = 5
NSLOT = -(-CPS // NB) * NB
PRE = 2


def _sc_body(x_hbm, batch_hbm, out_hbm, idx_v, rows_v, tidx_v, trows_v,
             zero_v, acc_sh, *sems):
    in_sems, add_sems, tail_sem = sems[:NB], sems[NB:2 * NB], sems[2 * NB]
    c = lax.axis_index("c")
    s = lax.axis_index("s")
    col0 = c * DHALF

    nmine = (NFULL - s + NSUB - 1) // NSUB

    def _start_in(i, b):
        base = R0 + (s + i * NSUB) * CHUNK
        pltpu.async_copy(batch_hbm.at[pl.ds(base, CHUNK)], idx_v.at[i],
                         in_sems[b])
        pltpu.async_copy(
            x_hbm.at[pl.ds(base, CHUNK), pl.ds(col0, DHALF)],
            rows_v.at[b], in_sems[b])

    def _wait_in(b):
        pltpu.make_async_copy(batch_hbm.at[pl.ds(0, CHUNK)], idx_v.at[0],
                              in_sems[b]).wait()
        pltpu.make_async_copy(
            x_hbm.at[pl.ds(0, CHUNK), pl.ds(col0, DHALF)],
            rows_v.at[b], in_sems[b]).wait()

    def _start_add(j, b):
        pltpu.async_copy(rows_v.at[b], acc_sh.at[idx_v.at[j]],
                         add_sems[b], add=True)

    def _wait_add(b):
        pltpu.make_async_copy(
            x_hbm.at[pl.ds(0, CHUNK), pl.ds(col0, DHALF)],
            rows_v.at[b], add_sems[b]).wait()

    for b in range(PRE):
        _start_in(b, b)

    tbase = R0 + NFULL * CHUNK

    @pl.when(s == NSUB - 1)
    def _():
        pltpu.async_copy(batch_hbm.at[pl.ds(tbase, TAIL)], tidx_v.at[0],
                         tail_sem)
        pltpu.async_copy(
            x_hbm.at[pl.ds(tbase, TAIL), pl.ds(col0, DHALF)], trows_v,
            tail_sem)

    zrow = jnp.zeros((16,), jnp.float32)

    def _zr(i, _):
        for j in range(DHALF // 16):
            zero_v[i, pl.ds(j * 16, 16)] = zrow
        return 0

    lax.fori_loop(0, SEG_PER_SUB, _zr, 0)
    pltpu.sync_copy(zero_v, acc_sh.at[pl.ds(s * SEG_PER_SUB, SEG_PER_SUB)])
    plsc.subcore_barrier()

    def _slots(g, _):
        for b in range(NB):
            i = g * NB + b

            @pl.when((g >= 1) & (i - NB < nmine))
            def _():
                _wait_add(b)

            @pl.when((i >= PRE) & (i < nmine))
            def _():
                _start_in(i, b)

            j = i - 1
            bb = (b - 1) % NB

            @pl.when((j >= 0) & (j < nmine))
            def _():
                _wait_in(bb)
                _start_add(j, bb)
        return 0

    lax.fori_loop(0, NSLOT // NB, _slots, 0)

    jlast = NSLOT - 1
    blast = jlast % NB

    @pl.when(jlast < nmine)
    def _():
        _wait_in(blast)
        _start_add(jlast, blast)

    for k in range(NB):
        j2 = NSLOT - NB + k

        @pl.when(j2 < nmine)
        def _():
            _wait_add(j2 % NB)

    @pl.when(s == NSUB - 1)
    def _():
        pltpu.make_async_copy(batch_hbm.at[pl.ds(tbase, TAIL)],
                              tidx_v.at[0], tail_sem).wait()
        pltpu.make_async_copy(
            x_hbm.at[pl.ds(tbase, TAIL), pl.ds(col0, DHALF)], trows_v,
            tail_sem).wait()
        pltpu.sync_copy(trows_v, acc_sh.at[tidx_v.at[0]], add=True)

    plsc.subcore_barrier()

    pltpu.sync_copy(
        acc_sh.at[pl.ds(s * SEG_PER_SUB, SEG_PER_SUB)],
        out_hbm.at[pl.ds(s * SEG_PER_SUB, SEG_PER_SUB), pl.ds(col0, DHALF)])


W = 128


def _tc_body(batch_ref, x_ref, o_ref):
    pid = pl.program_id(0)
    b = batch_ref[...]
    xb = x_ref[...].astype(jnp.bfloat16)
    base = (jnp.minimum(batch_ref[0], G - W) // 8) * 8
    span_ok = batch_ref[BR - 1] - base < W

    @pl.when(pid == 0)
    def _():
        o_ref[...] = jnp.zeros_like(o_ref)

    @pl.when(span_ok)
    def _():
        oh = (lax.broadcasted_iota(jnp.int32, (W, BR), 0) + base
              == b[None, :]).astype(jnp.bfloat16)
        acc = jnp.dot(oh, xb, preferred_element_type=jnp.float32)
        o_ref[pl.ds(base, W), :] += acc

    @pl.when(jnp.logical_not(span_ok))
    def _():
        oh = (lax.broadcasted_iota(jnp.int32, (G, BR), 0)
              == b[None, :]).astype(jnp.bfloat16)
        o_ref[...] += jnp.dot(oh, xb, preferred_element_type=jnp.float32)


def _add_body(a_ref, b_ref, o_ref):
    o_ref[...] = a_ref[...] + b_ref[...]


def kernel(X, batch, num_graphs):
    del num_graphs
    batch = batch.astype(jnp.int32)

    mesh = plsc.VectorSubcoreMesh(core_axis_name="c", subcore_axis_name="s")
    sc_call = pl.kernel(
        _sc_body,
        out_type=jax.ShapeDtypeStruct((G, D), jnp.float32),
        mesh=mesh,
        scratch_types=[
            pltpu.VMEM((CPS, CHUNK), jnp.int32),
            pltpu.VMEM((NB, CHUNK, DHALF), jnp.float32),
            pltpu.VMEM((1, TAIL), jnp.int32),
            pltpu.VMEM((TAIL, DHALF), jnp.float32),
            pltpu.VMEM((SEG_PER_SUB, DHALF), jnp.float32),
            pltpu.VMEM_SHARED((G, DHALF), jnp.float32),
        ] + [pltpu.SemaphoreType.DMA] * (2 * NB + 1),
    )
    sc_part = sc_call(X, batch)

    tc_call = pl.pallas_call(
        _tc_body,
        grid=(NTB,),
        in_specs=[
            pl.BlockSpec((BR,), lambda i: (i,)),
            pl.BlockSpec((BR, D), lambda i: (i, 0)),
        ],
        out_specs=pl.BlockSpec((G, D), lambda i: (0, 0)),
        out_shape=jax.ShapeDtypeStruct((G, D), jnp.float32),
    )
    tc_part = tc_call(batch, X)

    add_call = pl.pallas_call(
        _add_body,
        out_shape=jax.ShapeDtypeStruct((G, D), jnp.float32),
    )
    return add_call(sc_part, tc_part)


if False:  # kernel __main__ guard neutralized (emitter)
    x = jnp.ones((N, D), jnp.float32)
    b = jnp.zeros((N,), jnp.int32)
    print(jax.jit(kernel)(x, b, G).shape)

# --- scband reference (transcript-rebuilt; emitter-appended) ---
"""Pipeline reference for scband-op-node-pooling-23184233463942 (READ-ONLY COPY).

The authoritative reference and input builder live on the scoring server;
editing this copy changes nothing except your own understanding.
"""

import jax, jax.numpy as jnp
import numpy as np

N = 50000
D = 256
G = 512

def setup_inputs(seed: int = 0) -> dict:
    key = jax.random.key(seed)
    kx, kb = jax.random.split(key)
    X = jax.random.normal(kx, (N, D), dtype=jnp.float32)
    batch = jnp.sort(jax.random.randint(kb, (N,), 0, G, dtype=jnp.int64))
    return {"X": X, "batch": batch, "num_graphs": G}

def reference(X, batch, num_graphs):
    # mode='S', pool='sum': scatter-reduce node features into per-graph sums
    h_graph = jax.ops.segment_sum(X, batch, num_segments=G)
    seg_valid = (jnp.arange(G) < num_graphs).astype(h_graph.dtype)
    h_graph = h_graph * seg_valid[:, None]
    return h_graph

if __name__ == "__main__":
    import jax
    _d = setup_inputs()
    print(jax.jit(kernel)(*tuple(_d.values())))

</pallas_src>

<mosaic_0001>
#map = affine_map<(d0, d1) -> (0, 0)>
#map1 = affine_map<(d0, d1) -> (0)>
module attributes {stable_mosaic.version = 14 : i64} {
  func.func @_sc_body(%arg0: i32, %arg1: i32, %arg2: memref<50000x256xf32, #tpu.memory_space<hbm>>, %arg3: memref<50000xi32, #tpu.memory_space<hbm>>, %arg4: memref<512x256xf32, #tpu.memory_space<hbm>>, %arg5: memref<9x128xi32, #tpu.memory_space<vmem>>, %arg6: memref<5x128x128xf32, #tpu.memory_space<vmem>>, %arg7: memref<1x80xi32, #tpu.memory_space<vmem>>, %arg8: memref<80x128xf32, #tpu.memory_space<vmem>>, %arg9: memref<32x128xf32, #tpu.memory_space<vmem>>, %arg10: memref<512x128xf32, #tpu.memory_space<vmem_shared>>, %arg11: memref<!tpu.dma_semaphore, #tpu.memory_space<semaphore_mem>>, %arg12: memref<!tpu.dma_semaphore, #tpu.memory_space<semaphore_mem>>, %arg13: memref<!tpu.dma_semaphore, #tpu.memory_space<semaphore_mem>>, %arg14: memref<!tpu.dma_semaphore, #tpu.memory_space<semaphore_mem>>, %arg15: memref<!tpu.dma_semaphore, #tpu.memory_space<semaphore_mem>>, %arg16: memref<!tpu.dma_semaphore, #tpu.memory_space<semaphore_mem>>, %arg17: memref<!tpu.dma_semaphore, #tpu.memory_space<semaphore_mem>>, %arg18: memref<!tpu.dma_semaphore, #tpu.memory_space<semaphore_mem>>, %arg19: memref<!tpu.dma_semaphore, #tpu.memory_space<semaphore_mem>>, %arg20: memref<!tpu.dma_semaphore, #tpu.memory_space<semaphore_mem>>, %arg21: memref<!tpu.dma_semaphore, #tpu.memory_space<semaphore_mem>>) attributes {dimension_semantics = [#tpu.dimension_semantics<core_parallel>, #tpu.dimension_semantics<subcore_parallel>], iteration_bounds = array<i64: 2, 16>, scalar_prefetch = 0 : i64, scratch_operands = 17 : i64, tpu.core_type = #tpu.core_type<sc_vector_subcore>, window_params = [{transform_indices = #map}, {transform_indices = #map1}, {transform_indices = #map}]} {
    %mul3A = arith.constant 128 : i32
    %mul3A_0 = arith.muli %arg0, %mul3A : i32
    %sub3A = arith.constant 134 : i32
    %sub3A_1 = arith.subi %sub3A, %arg1 : i32
    %add3A = arith.constant 16 : i32
    %add3A_2 = arith.addi %sub3A_1, %add3A : i32
    %sub3A_3 = arith.constant 1 : i32
    %sub3A_4 = arith.subi %add3A_2, %sub3A_3 : i32
    %jit3A = arith.constant 16 : i32
    %div3A = arith.divsi %sub3A_4, %jit3A : i32
    %sign3A = arith.constant 0 : i32
    %sign3A_5 = arith.cmpi sgt, %sub3A_4, %sign3A : i32
    %sign3A_6 = arith.extui %sign3A_5 : i1 to i32
    %sign3A_7 = arith.constant 0 : i32
    %sign3A_8 = arith.cmpi slt, %sub3A_4, %sign3A_7 : i32
    %sign3A_9 = arith.extui %sign3A_8 : i1 to i32
    %sign3A_10 = arith.subi %sign3A_6, %sign3A_9 : i32
    %sign3A_11 = arith.constant 0 : i32
    %sign3A_12 = arith.cmpi sgt, %jit3A, %sign3A_11 : i32
    %sign3A_13 = arith.extui %sign3A_12 : i1 to i32
    %sign3A_14 = arith.constant 0 : i32
    %sign3A_15 = arith.cmpi slt, %jit3A, %sign3A_14 : i32
    %sign3A_16 = arith.extui %sign3A_15 : i1 to i32
    %sign3A_17 = arith.subi %sign3A_13, %sign3A_16 : i32
    %ne3A = arith.cmpi ne, %sign3A_10, %sign3A_17 : i32
    %rem3A = arith.remsi %sub3A_4, %jit3A : i32
    %ne3A_18 = arith.constant 0 : i32
    %ne3A_19 = arith.cmpi ne, %rem3A, %ne3A_18 : i32
    %and3A = arith.andi %ne3A, %ne3A_19 : i1
    %sub3A_20 = arith.constant 1 : i32
    %sub3A_21 = arith.subi %div3A, %sub3A_20 : i32
    %select_n3A = arith.select %and3A, %sub3A_21, %div3A : i32
    %add3A_22 = arith.constant 0 : i32
    %add3A_23 = arith.addi %arg1, %add3A_22 : i32
    %mul3A_24 = arith.constant 128 : i32
    %mul3A_25 = arith.muli %add3A_23, %mul3A_24 : i32
    %add3A_26 = arith.constant 32768 : i32
    %add3A_27 = arith.addi %add3A_26, %mul3A_25 : i32
    %dma_start3A = arith.constant 0 : i32
    %dma_start3A_28 = arith.constant 0 : i32
    %dma_start3A_29 = tpu.memref_slice %arg5[%dma_start3A, %dma_start3A_28] : memref<9x128xi32, #tpu.memory_space<vmem>> -> memref<1x128xi32, #tpu.memory_space<vmem>>
    %dma_start3A_30 = tpu.memref_squeeze %dma_start3A_29 : memref<1x128xi32, #tpu.memory_space<vmem>> -> memref<128xi32, #tpu.memory_space<vmem>>
    %dma_start3A_31 = tpu.memref_slice %arg3[%add3A_27] : memref<50000xi32, #tpu.memory_space<hbm>> -> memref<128xi32, #tpu.memory_space<hbm>>
    %dma_start3A_32 = arith.constant 0 : i32
    %dma_start3A_33 = tpu.memref_slice %arg5[%dma_start3A, %dma_start3A_32] : memref<9x128xi32, #tpu.memory_space<vmem>> -> memref<1x128xi32, #tpu.memory_space<vmem>>
    %dma_start3A_34 = tpu.memref_squeeze %dma_start3A_33 : memref<1x128xi32, #tpu.memory_space<vmem>> -> memref<128xi32, #tpu.memory_space<vmem>>
    %dma_start3A_35 = tpu.memref_slice %arg3[%add3A_27] : memref<50000xi32, #tpu.memory_space<hbm>> -> memref<128xi32, #tpu.memory_space<hbm>>
    tpu.enqueue_dma source(%dma_start3A_35 : memref<128xi32, #tpu.memory_space<hbm>>) target(%dma_start3A_34 : memref<128xi32, #tpu.memory_space<vmem>>) target_semaphore(%arg11 : memref<!tpu.dma_semaphore, #tpu.memory_space<semaphore_mem>>)
    %dma_start3A_36 = arith.constant 0 : i32
    %dma_start3A_37 = arith.constant 0 : i32
    %dma_start3A_38 = arith.constant 0 : i32
    %dma_start3A_39 = tpu.memref_slice %arg6[%dma_start3A_36, %dma_start3A_37, %dma_start3A_38] : memref<5x128x128xf32, #tpu.memory_space<vmem>> -> memref<1x128x128xf32, #tpu.memory_space<vmem>>
    %dma_start3A_40 = tpu.memref_squeeze %dma_start3A_39 : memref<1x128x128xf32, #tpu.memory_space<vmem>> -> memref<128x128xf32, #tpu.memory_space<vmem>>
    %dma_start3A_41 = tpu.memref_slice %arg2[%add3A_27, %mul3A_0] : memref<50000x256xf32, #tpu.memory_space<hbm>> -> memref<128x128xf32, #tpu.memory_space<hbm>>
    %dma_start3A_42 = arith.constant 0 : i32
    %dma_start3A_43 = arith.constant 0 : i32
    %dma_start3A_44 = tpu.memref_slice %arg6[%dma_start3A_36, %dma_start3A_42, %dma_start3A_43] : memref<5x128x128xf32, #tpu.memory_space<vmem>> -> memref<1x128x128xf32, #tpu.memory_space<vmem>>
    %dma_start3A_45 = tpu.memref_squeeze %dma_start3A_44 : memref<1x128x128xf32, #tpu.memory_space<vmem>> -> memref<128x128xf32, #tpu.memory_space<vmem>>
    %dma_start3A_46 = tpu.memref_slice %arg2[%add3A_27, %mul3A_0] : memref<50000x256xf32, #tpu.memory_space<hbm>> -> memref<128x128xf32, #tpu.memory_space<hbm>>
    tpu.enqueue_dma source(%dma_start3A_46 : memref<128x128xf32, #tpu.memory_space<hbm>>) target(%dma_start3A_45 : memref<128x128xf32, #tpu.memory_space<vmem>>) target_semaphore(%arg11 : memref<!tpu.dma_semaphore, #tpu.memory_space<semaphore_mem>>)
    %add3A_47 = arith.constant 16 : i32
    %add3A_48 = arith.addi %arg1, %add3A_47 : i32
    %mul3A_49 = arith.constant 128 : i32
    %mul3A_50 = arith.muli %add3A_48, %mul3A_49 : i32
    %add3A_51 = arith.constant 32768 : i32
    %add3A_52 = arith.addi %add3A_51, %mul3A_50 : i32
    %dma_start3A_53 = arith.constant 1 : i32
    %dma_start3A_54 = arith.constant 0 : i32
    %dma_start3A_55 = tpu.memref_slice %arg5[%dma_start3A_53, %dma_start3A_54] : memref<9x128xi32, #tpu.memory_space<vmem>> -> memref<1x128xi32, #tpu.memory_space<vmem>>
    %dma_start3A_56 = tpu.memref_squeeze %dma_start3A_55 : memref<1x128xi32, #tpu.memory_space<vmem>> -> memref<128xi32, #tpu.memory_space<vmem>>
    %dma_start3A_57 = tpu.memref_slice %arg3[%add3A_52] : memref<50000xi32, #tpu.memory_space<hbm>> -> memref<128xi32, #tpu.memory_space<hbm>>
    %dma_start3A_58 = arith.constant 0 : i32
    %dma_start3A_59 = tpu.memref_slice %arg5[%dma_start3A_53, %dma_start3A_58] : memref<9x128xi32, #tpu.memory_space<vmem>> -> memref<1x128xi32, #tpu.memory_space<vmem>>
    %dma_start3A_60 = tpu.memref_squeeze %dma_start3A_59 : memref<1x128xi32, #tpu.memory_space<vmem>> -> memref<128xi32, #tpu.memory_space<vmem>>
    %dma_start3A_61 = tpu.memref_slice %arg3[%add3A_52] : memref<50000xi32, #tpu.memory_space<hbm>> -> memref<128xi32, #tpu.memory_space<hbm>>
    tpu.enqueue_dma source(%dma_start3A_61 : memref<128xi32, #tpu.memory_space<hbm>>) target(%dma_start3A_60 : memref<128xi32, #tpu.memory_space<vmem>>) target_semaphore(%arg12 : memref<!tpu.dma_semaphore, #tpu.memory_space<semaphore_mem>>)
    %dma_start3A_62 = arith.constant 1 : i32
    %dma_start3A_63 = arith.constant 0 : i32
    %dma_start3A_64 = arith.constant 0 : i32
    %dma_start3A_65 = tpu.memref_slice %arg6[%dma_start3A_62, %dma_start3A_63, %dma_start3A_64] : memref<5x128x128xf32, #tpu.memory_space<vmem>> -> memref<1x128x128xf32, #tpu.memory_space<vmem>>
    %dma_start3A_66 = tpu.memref_squeeze %dma_start3A_65 : memref<1x128x128xf32, #tpu.memory_space<vmem>> -> memref<128x128xf32, #tpu.memory_space<vmem>>
    %dma_start3A_67 = tpu.memref_slice %arg2[%add3A_52, %mul3A_0] : memref<50000x256xf32, #tpu.memory_space<hbm>> -> memref<128x128xf32, #tpu.memory_space<hbm>>
    %dma_start3A_68 = arith.constant 0 : i32
    %dma_start3A_69 = arith.constant 0 : i32
    %dma_start3A_70 = tpu.memref_slice %arg6[%dma_start3A_62, %dma_start3A_68, %dma_start3A_69] : memref<5x128x128xf32, #tpu.memory_space<vmem>> -> memref<1x128x128xf32, #tpu.memory_space<vmem>>
    %dma_start3A_71 = tpu.memref_squeeze %dma_start3A_70 : memref<1x128x128xf32, #tpu.memory_space<vmem>> -> memref<128x128xf32, #tpu.memory_space<vmem>>
    %dma_start3A_72 = tpu.memref_slice %arg2[%add3A_52, %mul3A_0] : memref<50000x256xf32, #tpu.memory_space<hbm>> -> memref<128x128xf32, #tpu.memory_space<hbm>>
    tpu.enqueue_dma source(%dma_start3A_72 : memref<128x128xf32, #tpu.memory_space<hbm>>) target(%dma_start3A_71 : memref<128x128xf32, #tpu.memory_space<vmem>>) target_semaphore(%arg12 : memref<!tpu.dma_semaphore, #tpu.memory_space<semaphore_mem>>)
    %eq3A = arith.constant 15 : i32
    %eq3A_73 = arith.cmpi eq, %arg1, %eq3A : i32
    %convert_element_type3A = arith.extui %eq3A_73 : i1 to i32
    %cond3A = arith.constant 0 : i32
    %cond3A_74 = arith.cmpi ne, %convert_element_type3A, %cond3A : i32
    scf.if %cond3A_74 {
      %dma_start3A_130 = arith.constant 0 : i32
      %dma_start3A_131 = arith.constant 0 : i32
      %dma_start3A_132 = tpu.memref_slice %arg7[%dma_start3A_130, %dma_start3A_131] : memref<1x80xi32, #tpu.memory_space<vmem>> -> memref<1x80xi32, #tpu.memory_space<vmem>>
      %dma_start3A_133 = tpu.memref_squeeze %dma_start3A_132 : memref<1x80xi32, #tpu.memory_space<vmem>> -> memref<80xi32, #tpu.memory_space<vmem>>
      %dma_start3A_134 = arith.constant 49920 : i32
      %dma_start3A_135 = tpu.memref_slice %arg3[%dma_start3A_134] : memref<50000xi32, #tpu.memory_space<hbm>> -> memref<80xi32, #tpu.memory_space<hbm>>
      %dma_start3A_136 = arith.constant 0 : i32
      %dma_start3A_137 = tpu.memref_slice %arg7[%dma_start3A_130, %dma_start3A_136] : memref<1x80xi32, #tpu.memory_space<vmem>> -> memref<1x80xi32, #tpu.memory_space<vmem>>
      %dma_start3A_138 = tpu.memref_squeeze %dma_start3A_137 : memref<1x80xi32, #tpu.memory_space<vmem>> -> memref<80xi32, #tpu.memory_space<vmem>>
      %dma_start3A_139 = arith.constant 49920 : i32
      %dma_start3A_140 = tpu.memref_slice %arg3[%dma_start3A_139] : memref<50000xi32, #tpu.memory_space<hbm>> -> memref<80xi32, #tpu.memory_space<hbm>>
      tpu.enqueue_dma source(%dma_start3A_140 : memref<80xi32, #tpu.memory_space<hbm>>) target(%dma_start3A_138 : memref<80xi32, #tpu.memory_space<vmem>>) target_semaphore(%arg21 : memref<!tpu.dma_semaphore, #tpu.memory_space<semaphore_mem>>)
      %dma_start3A_141 = arith.constant 49920 : i32
      %dma_start3A_142 = tpu.memref_slice %arg2[%dma_start3A_141, %mul3A_0] : memref<50000x256xf32, #tpu.memory_space<hbm>> -> memref<80x128xf32, #tpu.memory_space<hbm>>
      %dma_start3A_143 = arith.constant 49920 : i32
      %dma_start3A_144 = tpu.memref_slice %arg2[%dma_start3A_143, %mul3A_0] : memref<50000x256xf32, #tpu.memory_space<hbm>> -> memref<80x128xf32, #tpu.memory_space<hbm>>
      tpu.enqueue_dma source(%dma_start3A_144 : memref<80x128xf32, #tpu.memory_space<hbm>>) target(%arg8 : memref<80x128xf32, #tpu.memory_space<vmem>>) target_semaphore(%arg21 : memref<!tpu.dma_semaphore, #tpu.memory_space<semaphore_mem>>)
    } else {
    }
    %broadcast_in_dim3A = arith.constant 0.000000e+00 : f32
    %broadcast_in_dim3A_75 = vector.broadcast %broadcast_in_dim3A : f32 to vector<16xf32>
    %scan3A = arith.constant 0 : i32
    %scan3A_76 = arith.constant 0 : i32
    %scan3A_77 = arith.constant 32 : i32
    %scan3A_78 = arith.addi %scan3A_76, %scan3A_77 : i32
    %scan3A_79 = arith.constant 1 : i32
    %scan3A_80 = scf.for %scan3A_130 = %scan3A_76 to %scan3A_78 step %scan3A_79 iter_args(%scan3A_131 = %scan3A) -> (i32)  : i32 {
      %swap3A = arith.index_cast %scan3A_130 : i32 to index
      %swap3A_132 = arith.constant 0 : index
      %swap3A_133 = tpu.vector_load %arg9[%swap3A, %swap3A_132] {strides = array<i32>} : memref<32x128xf32, #tpu.memory_space<vmem>>, vector<1x16xf32>,
      %swap3A_134 = vector.shape_cast %swap3A_133 : vector<1x16xf32> to vector<16xf32>
      %swap3A_135 = vector.shape_cast %broadcast_in_dim3A_75 : vector<16xf32> to vector<1x16xf32>
      tpu.vector_store %arg9[%swap3A, %swap3A_132], %swap3A_135 {strides = array<i32>} : memref<32x128xf32, #tpu.memory_space<vmem>>, vector<1x16xf32>,
      %swap3A_136 = arith.index_cast %scan3A_130 : i32 to index
      %swap3A_137 = arith.constant 16 : index
      %swap3A_138 = tpu.vector_load %arg9[%swap3A_136, %swap3A_137] {strides = array<i32>} : memref<32x128xf32, #tpu.memory_space<vmem>>, vector<1x16xf32>,
      %swap3A_139 = vector.shape_cast %swap3A_138 : vector<1x16xf32> to vector<16xf32>
      %swap3A_140 = vector.shape_cast %broadcast_in_dim3A_75 : vector<16xf32> to vector<1x16xf32>
      tpu.vector_store %arg9[%swap3A_136, %swap3A_137], %swap3A_140 {strides = array<i32>} : memref<32x128xf32, #tpu.memory_space<vmem>>, vector<1x16xf32>,
      %swap3A_141 = arith.index_cast %scan3A_130 : i32 to index
      %swap3A_142 = arith.constant 32 : index
      %swap3A_143 = tpu.vector_load %arg9[%swap3A_141, %swap3A_142] {strides = array<i32>} : memref<32x128xf32, #tpu.memory_space<vmem>>, vector<1x16xf32>,
      %swap3A_144 = vector.shape_cast %swap3A_143 : vector<1x16xf32> to vector<16xf32>
      %swap3A_145 = vector.shape_cast %broadcast_in_dim3A_75 : vector<16xf32> to vector<1x16xf32>
      tpu.vector_store %arg9[%swap3A_141, %swap3A_142], %swap3A_145 {strides = array<i32>} : memref<32x128xf32, #tpu.memory_space<vmem>>, vector<1x16xf32>,
      %swap3A_146 = arith.index_cast %scan3A_130 : i32 to index
      %swap3A_147 = arith.constant 48 : index
      %swap3A_148 = tpu.vector_load %arg9[%swap3A_146, %swap3A_147] {strides = array<i32>} : memref<32x128xf32, #tpu.memory_space<vmem>>, vector<1x16xf32>,
      %swap3A_149 = vector.shape_cast %swap3A_148 : vector<1x16xf32> to vector<16xf32>
      %swap3A_150 = vector.shape_cast %broadcast_in_dim3A_75 : vector<16xf32> to vector<1x16xf32>
      tpu.vector_store %arg9[%swap3A_146, %swap3A_147], %swap3A_150 {strides = array<i32>} : memref<32x128xf32, #tpu.memory_space<vmem>>, vector<1x16xf32>,
      %swap3A_151 = arith.index_cast %scan3A_130 : i32 to index
      %swap3A_152 = arith.constant 64 : index
      %swap3A_153 = tpu.vector_load %arg9[%swap3A_151, %swap3A_152] {strides = array<i32>} : memref<32x128xf32, #tpu.memory_space<vmem>>, vector<1x16xf32>,
      %swap3A_154 = vector.shape_cast %swap3A_153 : vector<1x16xf32> to vector<16xf32>
      %swap3A_155 = vector.shape_cast %broadcast_in_dim3A_75 : vector<16xf32> to vector<1x16xf32>
      tpu.vector_store %arg9[%swap3A_151, %swap3A_152], %swap3A_155 {strides = array<i32>} : memref<32x128xf32, #tpu.memory_space<vmem>>, vector<1x16xf32>,
      %swap3A_156 = arith.index_cast %scan3A_130 : i32 to index
      %swap3A_157 = arith.constant 80 : index
      %swap3A_158 = tpu.vector_load %arg9[%swap3A_156, %swap3A_157] {strides = array<i32>} : memref<32x128xf32, #tpu.memory_space<vmem>>, vector<1x16xf32>,
      %swap3A_159 = vector.shape_cast %swap3A_158 : vector<1x16xf32> to vector<16xf32>
      %swap3A_160 = vector.shape_cast %broadcast_in_dim3A_75 : vector<16xf32> to vector<1x16xf32>
      tpu.vector_store %arg9[%swap3A_156, %swap3A_157], %swap3A_160 {strides = array<i32>} : memref<32x128xf32, #tpu.memory_space<vmem>>, vector<1x16xf32>,
      %swap3A_161 = arith.index_cast %scan3A_130 : i32 to index
      %swap3A_162 = arith.constant 96 : index
      %swap3A_163 = tpu.vector_load %arg9[%swap3A_161, %swap3A_162] {strides = array<i32>} : memref<32x128xf32, #tpu.memory_space<vmem>>, vector<1x16xf32>,
      %swap3A_164 = vector.shape_cast %swap3A_163 : vector<1x16xf32> to vector<16xf32>
      %swap3A_165 = vector.shape_cast %broadcast_in_dim3A_75 : vector<16xf32> to vector<1x16xf32>
      tpu.vector_store %arg9[%swap3A_161, %swap3A_162], %swap3A_165 {strides = array<i32>} : memref<32x128xf32, #tpu.memory_space<vmem>>, vector<1x16xf32>,
      %swap3A_166 = arith.index_cast %scan3A_130 : i32 to index
      %swap3A_167 = arith.constant 112 : index
      %swap3A_168 = tpu.vector_load %arg9[%swap3A_166, %swap3A_167] {strides = array<i32>} : memref<32x128xf32, #tpu.memory_space<vmem>>, vector<1x16xf32>,
      %swap3A_169 = vector.shape_cast %swap3A_168 : vector<1x16xf32> to vector<16xf32>
      %swap3A_170 = vector.shape_cast %broadcast_in_dim3A_75 : vector<16xf32> to vector<1x16xf32>
      tpu.vector_store %arg9[%swap3A_166, %swap3A_167], %swap3A_170 {strides = array<i32>} : memref<32x128xf32, #tpu.memory_space<vmem>>, vector<1x16xf32>,
      %scan3A_171 = arith.constant 0 : i32
      scf.yield %scan3A_171 : i32
    }
    %scan3A_81 = arith.constant 32 : i32
    %mul3A_82 = arith.constant 32 : i32
    %mul3A_83 = arith.muli %arg1, %mul3A_82 : i32
    "tpu.region"() ({
      %run_scoped3A = tpu.sem_alloc : memref<!tpu.dma_semaphore, #tpu.memory_space<semaphore_mem>>
      %dma_start3A_130 = arith.constant 0 : i32
      %dma_start3A_131 = tpu.memref_slice %arg10[%mul3A_83, %dma_start3A_130] : memref<512x128xf32, #tpu.memory_space<vmem_shared>> -> memref<32x128xf32, #tpu.memory_space<vmem_shared>>
      %dma_start3A_132 = arith.constant 0 : i32
      %dma_start3A_133 = tpu.memref_slice %arg10[%mul3A_83, %dma_start3A_132] : memref<512x128xf32, #tpu.memory_space<vmem_shared>> -> memref<32x128xf32, #tpu.memory_space<vmem_shared>>
      tpu.enqueue_dma source(%arg9 : memref<32x128xf32, #tpu.memory_space<vmem>>) target(%dma_start3A_133 : memref<32x128xf32, #tpu.memory_space<vmem_shared>>) target_semaphore(%run_scoped3A : memref<!tpu.dma_semaphore, #tpu.memory_space<semaphore_mem>>)
      %dma_wait3A = arith.constant 0 : i32
      %dma_wait3A_134 = tpu.memref_slice %arg10[%mul3A_83, %dma_wait3A] : memref<512x128xf32, #tpu.memory_space<vmem_shared>> -> memref<32x128xf32, #tpu.memory_space<vmem_shared>>
      %dma_wait3A_135 = arith.constant 0 : i32
      %dma_wait3A_136 = tpu.memref_slice %arg10[%mul3A_83, %dma_wait3A_135] : memref<512x128xf32, #tpu.memory_space<vmem_shared>> -> memref<32x128xf32, #tpu.memory_space<vmem_shared>>
      tpu.wait_dma2 semaphore(%run_scoped3A : memref<!tpu.dma_semaphore, #tpu.memory_space<semaphore_mem>>) src(%arg9 : memref<32x128xf32, #tpu.memory_space<vmem>>) dst(%dma_wait3A_136 : memref<32x128xf32, #tpu.memory_space<vmem_shared>>)
      tpu.yield
    }) : () -> ()
    %barrier3A = arith.constant 0 : index
    tpu.barrier barrier_id(%barrier3A)
    %scan3A_84 = arith.constant 0 : i32
    %scan3A_85 = arith.constant 0 : i32
    %scan3A_86 = arith.constant 2 : i32
    %scan3A_87 = arith.addi %scan3A_85, %scan3A_86 : i32
    %scan3A_88 = arith.constant 1 : i32
    %scan3A_89 = scf.for %scan3A_130 = %scan3A_85 to %scan3A_87 step %scan3A_88 iter_args(%scan3A_131 = %scan3A_84) -> (i32)  : i32 {
      %mul3A_132 = arith.constant 5 : i32
      %mul3A_133 = arith.muli %scan3A_130, %mul3A_132 : i32
      %add3A_134 = arith.constant 0 : i32
      %add3A_135 = arith.addi %mul3A_133, %add3A_134 : i32
      %ge3A = arith.constant 1 : i32
      %ge3A_136 = arith.cmpi sge, %scan3A_130, %ge3A : i32
      %sub3A_137 = arith.constant 5 : i32
      %sub3A_138 = arith.subi %add3A_135, %sub3A_137 : i32
      %lt3A = arith.cmpi slt, %sub3A_138, %select_n3A : i32
      %and3A_139 = arith.andi %ge3A_136, %lt3A : i1
      %convert_element_type3A_140 = arith.extui %and3A_139 : i1 to i32
      %cond3A_141 = arith.constant 0 : i32
      %cond3A_142 = arith.cmpi ne, %convert_element_type3A_140, %cond3A_141 : i32
      scf.if %cond3A_142 {
        %dma_wait3A = arith.constant 0 : i32
        %dma_wait3A_276 = arith.constant 0 : i32
        %dma_wait3A_277 = arith.constant 0 : i32
        %dma_wait3A_278 = tpu.memref_slice %arg6[%dma_wait3A, %dma_wait3A_276, %dma_wait3A_277] : memref<5x128x128xf32, #tpu.memory_space<vmem>> -> memref<1x128x128xf32, #tpu.memory_space<vmem>>
        %dma_wait3A_279 = tpu.memref_squeeze %dma_wait3A_278 : memref<1x128x128xf32, #tpu.memory_space<vmem>> -> memref<128x128xf32, #tpu.memory_space<vmem>>
        %dma_wait3A_280 = arith.constant 0 : i32
        %dma_wait3A_281 = tpu.memref_slice %arg2[%dma_wait3A_280, %mul3A_0] : memref<50000x256xf32, #tpu.memory_space<hbm>> -> memref<128x128xf32, #tpu.memory_space<hbm>>
        %dma_wait3A_282 = arith.constant 0 : i32
        %dma_wait3A_283 = arith.constant 0 : i32
        %dma_wait3A_284 = tpu.memref_slice %arg6[%dma_wait3A, %dma_wait3A_282, %dma_wait3A_283] : memref<5x128x128xf32, #tpu.memory_space<vmem>> -> memref<1x128x128xf32, #tpu.memory_space<vmem>>
        %dma_wait3A_285 = tpu.memref_squeeze %dma_wait3A_284 : memref<1x128x128xf32, #tpu.memory_space<vmem>> -> memref<128x128xf32, #tpu.memory_space<vmem>>
        %dma_wait3A_286 = arith.constant 0 : i32
        %dma_wait3A_287 = tpu.memref_slice %arg2[%dma_wait3A_286, %mul3A_0] : memref<50000x256xf32, #tpu.memory_space<hbm>> -> memref<128x128xf32, #tpu.memory_space<hbm>>
        tpu.wait_dma2 semaphore(%arg16 : memref<!tpu.dma_semaphore, #tpu.memory_space<semaphore_mem>>) src(%dma_wait3A_287 : memref<128x128xf32, #tpu.memory_space<hbm>>) dst(%dma_wait3A_285 : memref<128x128xf32, #tpu.memory_space<vmem>>)
      } else {
      }
      %ge3A_143 = arith.constant 2 : i32
      %ge3A_144 = arith.cmpi sge, %add3A_135, %ge3A_143 : i32
      %lt3A_145 = arith.cmpi slt, %add3A_135, %select_n3A : i32
      %and3A_146 = arith.andi %ge3A_144, %lt3A_145 : i1
      %convert_element_type3A_147 = arith.extui %and3A_146 : i1 to i32
      %cond3A_148 = arith.constant 0 : i32
      %cond3A_149 = arith.cmpi ne, %convert_element_type3A_147, %cond3A_148 : i32
      scf.if %cond3A_149 {
        %mul3A_276 = arith.constant 16 : i32
        %mul3A_277 = arith.muli %add3A_135, %mul3A_276 : i32
        %add3A_278 = arith.addi %arg1, %mul3A_277 : i32
        %mul3A_279 = arith.constant 128 : i32
        %mul3A_280 = arith.muli %add3A_278, %mul3A_279 : i32
        %add3A_281 = arith.constant 32768 : i32
        %add3A_282 = arith.addi %add3A_281, %mul3A_280 : i32
        %dma_start3A_283 = arith.constant 0 : i32
        %dma_start3A_284 = tpu.memref_slice %arg5[%add3A_135, %dma_start3A_283] : memref<9x128xi32, #tpu.memory_space<vmem>> -> memref<1x128xi32, #tpu.memory_space<vmem>>
        %dma_start3A_285 = tpu.memref_squeeze %dma_start3A_284 : memref<1x128xi32, #tpu.memory_space<vmem>> -> memref<128xi32, #tpu.memory_space<vmem>>
        %dma_start3A_286 = tpu.memref_slice %arg3[%add3A_282] : memref<50000xi32, #tpu.memory_space<hbm>> -> memref<128xi32, #tpu.memory_space<hbm>>
        %dma_start3A_287 = arith.constant 0 : i32
        %dma_start3A_288 = tpu.memref_slice %arg5[%add3A_135, %dma_start3A_287] : memref<9x128xi32, #tpu.memory_space<vmem>> -> memref<1x128xi32, #tpu.memory_space<vmem>>
        %dma_start3A_289 = tpu.memref_squeeze %dma_start3A_288 : memref<1x128xi32, #tpu.memory_space<vmem>> -> memref<128xi32, #tpu.memory_space<vmem>>
        %dma_start3A_290 = tpu.memref_slice %arg3[%add3A_282] : memref<50000xi32, #tpu.memory_space<hbm>> -> memref<128xi32, #tpu.memory_space<hbm>>
        tpu.enqueue_dma source(%dma_start3A_290 : memref<128xi32, #tpu.memory_space<hbm>>) target(%dma_start3A_289 : memref<128xi32, #tpu.memory_space<vmem>>) target_semaphore(%arg11 : memref<!tpu.dma_semaphore, #tpu.memory_space<semaphore_mem>>)
        %dma_start3A_291 = arith.constant 0 : i32
        %dma_start3A_292 = arith.constant 0 : i32
        %dma_start3A_293 = arith.constant 0 : i32
        %dma_start3A_294 = tpu.memref_slice %arg6[%dma_start3A_291, %dma_start3A_292, %dma_start3A_293] : memref<5x128x128xf32, #tpu.memory_space<vmem>> -> memref<1x128x128xf32, #tpu.memory_space<vmem>>
        %dma_start3A_295 = tpu.memref_squeeze %dma_start3A_294 : memref<1x128x128xf32, #tpu.memory_space<vmem>> -> memref<128x128xf32, #tpu.memory_space<vmem>>
        %dma_start3A_296 = tpu.memref_slice %arg2[%add3A_282, %mul3A_0] : memref<50000x256xf32, #tpu.memory_space<hbm>> -> memref<128x128xf32, #tpu.memory_space<hbm>>
        %dma_start3A_297 = arith.constant 0 : i32
        %dma_start3A_298 = arith.constant 0 : i32
        %dma_start3A_299 = tpu.memref_slice %arg6[%dma_start3A_291, %dma_start3A_297, %dma_start3A_298] : memref<5x128x128xf32, #tpu.memory_space<vmem>> -> memref<1x128x128xf32, #tpu.memory_space<vmem>>
        %dma_start3A_300 = tpu.memref_squeeze %dma_start3A_299 : memref<1x128x128xf32, #tpu.memory_space<vmem>> -> memref<128x128xf32, #tpu.memory_space<vmem>>
        %dma_start3A_301 = tpu.memref_slice %arg2[%add3A_282, %mul3A_0] : memref<50000x256xf32, #tpu.memory_space<hbm>> -> memref<128x128xf32, #tpu.memory_space<hbm>>
        tpu.enqueue_dma source(%dma_start3A_301 : memref<128x128xf32, #tpu.memory_space<hbm>>) target(%dma_start3A_300 : memref<128x128xf32, #tpu.memory_space<vmem>>) target_semaphore(%arg11 : memref<!tpu.dma_semaphore, #tpu.memory_space<semaphore_mem>>)
      } else {
      }
      %sub3A_150 = arith.constant 1 : i32
      %sub3A_151 = arith.subi %add3A_135, %sub3A_150 : i32
      %ge3A_152 = arith.constant 0 : i32
      %ge3A_153 = arith.cmpi sge, %sub3A_151, %ge3A_152 : i32
      %lt3A_154 = arith.cmpi slt, %sub3A_151, %select_n3A : i32
      %and3A_155 = arith.andi %ge3A_153, %lt3A_154 : i1
      %convert_element_type3A_156 = arith.extui %and3A_155 : i1 to i32
      %cond3A_157 = arith.constant 0 : i32
      %cond3A_158 = arith.cmpi ne, %convert_element_type3A_156, %cond3A_157 : i32
      scf.if %cond3A_158 {
        %dma_wait3A = arith.constant 0 : i32
        %dma_wait3A_276 = arith.constant 0 : i32
        %dma_wait3A_277 = tpu.memref_slice %arg5[%dma_wait3A, %dma_wait3A_276] : memref<9x128xi32, #tpu.memory_space<vmem>> -> memref<1x128xi32, #tpu.memory_space<vmem>>
        %dma_wait3A_278 = tpu.memref_squeeze %dma_wait3A_277 : memref<1x128xi32, #tpu.memory_space<vmem>> -> memref<128xi32, #tpu.memory_space<vmem>>
        %dma_wait3A_279 = arith.constant 0 : i32
        %dma_wait3A_280 = tpu.memref_slice %arg3[%dma_wait3A_279] : memref<50000xi32, #tpu.memory_space<hbm>> -> memref<128xi32, #tpu.memory_space<hbm>>
        %dma_wait3A_281 = arith.constant 0 : i32
        %dma_wait3A_282 = tpu.memref_slice %arg5[%dma_wait3A, %dma_wait3A_281] : memref<9x128xi32, #tpu.memory_space<vmem>> -> memref<1x128xi32, #tpu.memory_space<vmem>>
        %dma_wait3A_283 = tpu.memref_squeeze %dma_wait3A_282 : memref<1x128xi32, #tpu.memory_space<vmem>> -> memref<128xi32, #tpu.memory_space<vmem>>
        %dma_wait3A_284 = arith.constant 0 : i32
        %dma_wait3A_285 = tpu.memref_slice %arg3[%dma_wait3A_284] : memref<50000xi32, #tpu.memory_space<hbm>> -> memref<128xi32, #tpu.memory_space<hbm>>
        tpu.wait_dma2 semaphore(%arg15 : memref<!tpu.dma_semaphore, #tpu.memory_space<semaphore_mem>>) src(%dma_wait3A_285 : memref<128xi32, #tpu.memory_space<hbm>>) dst(%dma_wait3A_283 : memref<128xi32, #tpu.memory_space<vmem>>)
        %dma_wait3A_286 = arith.constant 4 : i32
        %dma_wait3A_287 = arith.constant 0 : i32
        %dma_wait3A_288 = arith.constant 0 : i32
        %dma_wait3A_289 = tpu.memref_slice %arg6[%dma_wait3A_286, %dma_wait3A_287, %dma_wait3A_288] : memref<5x128x128xf32, #tpu.memory_space<vmem>> -> memref<1x128x128xf32, #tpu.memory_space<vmem>>
        %dma_wait3A_290 = tpu.memref_squeeze %dma_wait3A_289 : memref<1x128x128xf32, #tpu.memory_space<vmem>> -> memref<128x128xf32, #tpu.memory_space<vmem>>
        %dma_wait3A_291 = arith.constant 0 : i32
        %dma_wait3A_292 = tpu.memref_slice %arg2[%dma_wait3A_291, %mul3A_0] : memref<50000x256xf32, #tpu.memory_space<hbm>> -> memref<128x128xf32, #tpu.memory_space<hbm>>
        %dma_wait3A_293 = arith.constant 0 : i32
        %dma_wait3A_294 = arith.constant 0 : i32
        %dma_wait3A_295 = tpu.memref_slice %arg6[%dma_wait3A_286, %dma_wait3A_293, %dma_wait3A_294] : memref<5x128x128xf32, #tpu.memory_space<vmem>> -> memref<1x128x128xf32, #tpu.memory_space<vmem>>
        %dma_wait3A_296 = tpu.memref_squeeze %dma_wait3A_295 : memref<1x128x128xf32, #tpu.memory_space<vmem>> -> memref<128x128xf32, #tpu.memory_space<vmem>>
        %dma_wait3A_297 = arith.constant 0 : i32
        %dma_wait3A_298 = tpu.memref_slice %arg2[%dma_wait3A_297, %mul3A_0] : memref<50000x256xf32, #tpu.memory_space<hbm>> -> memref<128x128xf32, #tpu.memory_space<hbm>>
        tpu.wait_dma2 semaphore(%arg15 : memref<!tpu.dma_semaphore, #tpu.memory_space<semaphore_mem>>) src(%dma_wait3A_298 : memref<128x128xf32, #tpu.memory_space<hbm>>) dst(%dma_wait3A_296 : memref<128x128xf32, #tpu.memory_space<vmem>>)
        %dma_start3A_299 = arith.constant 4 : i32
        %dma_start3A_300 = arith.constant 0 : i32
        %dma_start3A_301 = arith.constant 0 : i32
        %dma_start3A_302 = tpu.memref_slice %arg6[%dma_start3A_299, %dma_start3A_300, %dma_start3A_301] : memref<5x128x128xf32, #tpu.memory_space<vmem>> -> memref<1x128x128xf32, #tpu.memory_space<vmem>>
        %dma_start3A_303 = tpu.memref_squeeze %dma_start3A_302 : memref<1x128x128xf32, #tpu.memory_space<vmem>> -> memref<128x128xf32, #tpu.memory_space<vmem>>
        %dma_start3A_304 = arith.constant 0 : i32
        %dma_start3A_305 = tpu.memref_slice %arg5[%sub3A_151, %dma_start3A_304] : memref<9x128xi32, #tpu.memory_space<vmem>> -> memref<1x128xi32, #tpu.memory_space<vmem>>
        %dma_start3A_306 = tpu.memref_squeeze %dma_start3A_305 : memref<1x128xi32, #tpu.memory_space<vmem>> -> memref<128xi32, #tpu.memory_space<vmem>>
        %dma_start3A_307 = arith.constant 0 : i32
        %dma_start3A_308 = arith.constant 0 : i32
        %dma_start3A_309 = tpu.memref_slice %arg10[%dma_start3A_307, %dma_start3A_308] : memref<512x128xf32, #tpu.memory_space<vmem_shared>> -> memref<512x128xf32, #tpu.memory_space<vmem_shared>>
        tpu.enqueue_indirect_dma source(%dma_start3A_303 : memref<128x128xf32, #tpu.memory_space<vmem>>) target(%dma_start3A_309 : memref<512x128xf32, #tpu.memory_space<vmem_shared>>) offsets(%dma_start3A_306 : memref<128xi32, #tpu.memory_space<vmem>>) semaphore(%arg20 : memref<!tpu.dma_semaphore, #tpu.memory_space<semaphore_mem>>) {add = true}
      } else {
      }
      %mul3A_159 = arith.constant 5 : i32
      %mul3A_160 = arith.muli %scan3A_130, %mul3A_159 : i32
      %add3A_161 = arith.constant 1 : i32
      %add3A_162 = arith.addi %mul3A_160, %add3A_161 : i32
      %ge3A_163 = arith.constant 1 : i32
      %ge3A_164 = arith.cmpi sge, %scan3A_130, %ge3A_163 : i32
      %sub3A_165 = arith.constant 5 : i32
      %sub3A_166 = arith.subi %add3A_162, %sub3A_165 : i32
      %lt3A_167 = arith.cmpi slt, %sub3A_166, %select_n3A : i32
      %and3A_168 = arith.andi %ge3A_164, %lt3A_167 : i1
      %convert_element_type3A_169 = arith.extui %and3A_168 : i1 to i32
      %cond3A_170 = arith.constant 0 : i32
      %cond3A_171 = arith.cmpi ne, %convert_element_type3A_169, %cond3A_170 : i32
      scf.if %cond3A_171 {
        %dma_wait3A = arith.constant 1 : i32
        %dma_wait3A_276 = arith.constant 0 : i32
        %dma_wait3A_277 = arith.constant 0 : i32
        %dma_wait3A_278 = tpu.memref_slice %arg6[%dma_wait3A, %dma_wait3A_276, %dma_wait3A_277] : memref<5x128x128xf32, #tpu.memory_space<vmem>> -> memref<1x128x128xf32, #tpu.memory_space<vmem>>
        %dma_wait3A_279 = tpu.memref_squeeze %dma_wait3A_278 : memref<1x128x128xf32, #tpu.memory_space<vmem>> -> memref<128x128xf32, #tpu.memory_space<vmem>>
        %dma_wait3A_280 = arith.constant 0 : i32
        %dma_wait3A_281 = tpu.memref_slice %arg2[%dma_wait3A_280, %mul3A_0] : memref<50000x256xf32, #tpu.memory_space<hbm>> -> memref<128x128xf32, #tpu.memory_space<hbm>>
        %dma_wait3A_282 = arith.constant 0 : i32
        %dma_wait3A_283 = arith.constant 0 : i32
        %dma_wait3A_284 = tpu.memref_slice %arg6[%dma_wait3A, %dma_wait3A_282, %dma_wait3A_283] : memref<5x128x128xf32, #tpu.memory_space<vmem>> -> memref<1x128x128xf32, #tpu.memory_space<vmem>>
        %dma_wait3A_285 = tpu.memref_squeeze %dma_wait3A_284 : memref<1x128x128xf32, #tpu.memory_space<vmem>> -> memref<128x128xf32, #tpu.memory_space<vmem>>
        %dma_wait3A_286 = arith.constant 0 : i32
        %dma_wait3A_287 = tpu.memref_slice %arg2[%dma_wait3A_286, %mul3A_0] : memref<50000x256xf32, #tpu.memory_space<hbm>> -> memref<128x128xf32, #tpu.memory_space<hbm>>
        tpu.wait_dma2 semaphore(%arg17 : memref<!tpu.dma_semaphore, #tpu.memory_space<semaphore_mem>>) src(%dma_wait3A_287 : memref<128x128xf32, #tpu.memory_space<hbm>>) dst(%dma_wait3A_285 : memref<128x128xf32, #tpu.memory_space<vmem>>)
      } else {
      }
      %ge3A_172 = arith.constant 2 : i32
      %ge3A_173 = arith.cmpi sge, %add3A_162, %ge3A_172 : i32
      %lt3A_174 = arith.cmpi slt, %add3A_162, %select_n3A : i32
      %and3A_175 = arith.andi %ge3A_173, %lt3A_174 : i1
      %convert_element_type3A_176 = arith.extui %and3A_175 : i1 to i32
      %cond3A_177 = arith.constant 0 : i32
      %cond3A_178 = arith.cmpi ne, %convert_element_type3A_176, %cond3A_177 : i32
      scf.if %cond3A_178 {
        %mul3A_276 = arith.constant 16 : i32
        %mul3A_277 = arith.muli %add3A_162, %mul3A_276 : i32
        %add3A_278 = arith.addi %arg1, %mul3A_277 : i32
        %mul3A_279 = arith.constant 128 : i32
        %mul3A_280 = arith.muli %add3A_278, %mul3A_279 : i32
        %add3A_281 = arith.constant 32768 : i32
        %add3A_282 = arith.addi %add3A_281, %mul3A_280 : i32
        %dma_start3A_283 = arith.constant 0 : i32
        %dma_start3A_284 = tpu.memref_slice %arg5[%add3A_162, %dma_start3A_283] : memref<9x128xi32, #tpu.memory_space<vmem>> -> memref<1x128xi32, #tpu.memory_space<vmem>>
        %dma_start3A_285 = tpu.memref_squeeze %dma_start3A_284 : memref<1x128xi32, #tpu.memory_space<vmem>> -> memref<128xi32, #tpu.memory_space<vmem>>
        %dma_start3A_286 = tpu.memref_slice %arg3[%add3A_282] : memref<50000xi32, #tpu.memory_space<hbm>> -> memref<128xi32, #tpu.memory_space<hbm>>
        %dma_start3A_287 = arith.constant 0 : i32
        %dma_start3A_288 = tpu.memref_slice %arg5[%add3A_162, %dma_start3A_287] : memref<9x128xi32, #tpu.memory_space<vmem>> -> memref<1x128xi32, #tpu.memory_space<vmem>>
        %dma_start3A_289 = tpu.memref_squeeze %dma_start3A_288 : memref<1x128xi32, #tpu.memory_space<vmem>> -> memref<128xi32, #tpu.memory_space<vmem>>
        %dma_start3A_290 = tpu.memref_slice %arg3[%add3A_282] : memref<50000xi32, #tpu.memory_space<hbm>> -> memref<128xi32, #tpu.memory_space<hbm>>
        tpu.enqueue_dma source(%dma_start3A_290 : memref<128xi32, #tpu.memory_space<hbm>>) target(%dma_start3A_289 : memref<128xi32, #tpu.memory_space<vmem>>) target_semaphore(%arg12 : memref<!tpu.dma_semaphore, #tpu.memory_space<semaphore_mem>>)
        %dma_start3A_291 = arith.constant 1 : i32
        %dma_start3A_292 = arith.constant 0 : i32
        %dma_start3A_293 = arith.constant 0 : i32
        %dma_start3A_294 = tpu.memref_slice %arg6[%dma_start3A_291, %dma_start3A_292, %dma_start3A_293] : memref<5x128x128xf32, #tpu.memory_space<vmem>> -> memref<1x128x128xf32, #tpu.memory_space<vmem>>
        %dma_start3A_295 = tpu.memref_squeeze %dma_start3A_294 : memref<1x128x128xf32, #tpu.memory_space<vmem>> -> memref<128x128xf32, #tpu.memory_space<vmem>>
        %dma_start3A_296 = tpu.memref_slice %arg2[%add3A_282, %mul3A_0] : memref<50000x256xf32, #tpu.memory_space<hbm>> -> memref<128x128xf32, #tpu.memory_space<hbm>>
        %dma_start3A_297 = arith.constant 0 : i32
        %dma_start3A_298 = arith.constant 0 : i32
        %dma_start3A_299 = tpu.memref_slice %arg6[%dma_start3A_291, %dma_start3A_297, %dma_start3A_298] : memref<5x128x128xf32, #tpu.memory_space<vmem>> -> memref<1x128x128xf32, #tpu.memory_space<vmem>>
        %dma_start3A_300 = tpu.memref_squeeze %dma_start3A_299 : memref<1x128x128xf32, #tpu.memory_space<vmem>> -> memref<128x128xf32, #tpu.memory_space<vmem>>
        %dma_start3A_301 = tpu.memref_slice %arg2[%add3A_282, %mul3A_0] : memref<50000x256xf32, #tpu.memory_space<hbm>> -> memref<128x128xf32, #tpu.memory_space<hbm>>
        tpu.enqueue_dma source(%dma_start3A_301 : memref<128x128xf32, #tpu.memory_space<hbm>>) target(%dma_start3A_300 : memref<128x128xf32, #tpu.memory_space<vmem>>) target_semaphore(%arg12 : memref<!tpu.dma_semaphore, #tpu.memory_space<semaphore_mem>>)
      } else {
      }
      %sub3A_179 = arith.constant 1 : i32
      %sub3A_180 = arith.subi %add3A_162, %sub3A_179 : i32
      %ge3A_181 = arith.constant 0 : i32
      %ge3A_182 = arith.cmpi sge, %sub3A_180, %ge3A_181 : i32
      %lt3A_183 = arith.cmpi slt, %sub3A_180, %select_n3A : i32
      %and3A_184 = arith.andi %ge3A_182, %lt3A_183 : i1
      %convert_element_type3A_185 = arith.extui %and3A_184 : i1 to i32
      %cond3A_186 = arith.constant 0 : i32
      %cond3A_187 = arith.cmpi ne, %convert_element_type3A_185, %cond3A_186 : i32
      scf.if %cond3A_187 {
        %dma_wait3A = arith.constant 0 : i32
        %dma_wait3A_276 = arith.constant 0 : i32
        %dma_wait3A_277 = tpu.memref_slice %arg5[%dma_wait3A, %dma_wait3A_276] : memref<9x128xi32, #tpu.memory_space<vmem>> -> memref<1x128xi32, #tpu.memory_space<vmem>>
        %dma_wait3A_278 = tpu.memref_squeeze %dma_wait3A_277 : memref<1x128xi32, #tpu.memory_space<vmem>> -> memref<128xi32, #tpu.memory_space<vmem>>
        %dma_wait3A_279 = arith.constant 0 : i32
        %dma_wait3A_280 = tpu.memref_slice %arg3[%dma_wait3A_279] : memref<50000xi32, #tpu.memory_space<hbm>> -> memref<128xi32, #tpu.memory_space<hbm>>
        %dma_wait3A_281 = arith.constant 0 : i32
        %dma_wait3A_282 = tpu.memref_slice %arg5[%dma_wait3A, %dma_wait3A_281] : memref<9x128xi32, #tpu.memory_space<vmem>> -> memref<1x128xi32, #tpu.memory_space<vmem>>
        %dma_wait3A_283 = tpu.memref_squeeze %dma_wait3A_282 : memref<1x128xi32, #tpu.memory_space<vmem>> -> memref<128xi32, #tpu.memory_space<vmem>>
        %dma_wait3A_284 = arith.constant 0 : i32
        %dma_wait3A_285 = tpu.memref_slice %arg3[%dma_wait3A_284] : memref<50000xi32, #tpu.memory_space<hbm>> -> memref<128xi32, #tpu.memory_space<hbm>>
        tpu.wait_dma2 semaphore(%arg11 : memref<!tpu.dma_semaphore, #tpu.memory_space<semaphore_mem>>) src(%dma_wait3A_285 : memref<128xi32, #tpu.memory_space<hbm>>) dst(%dma_wait3A_283 : memref<128xi32, #tpu.memory_space<vmem>>)
        %dma_wait3A_286 = arith.constant 0 : i32
        %dma_wait3A_287 = arith.constant 0 : i32
        %dma_wait3A_288 = arith.constant 0 : i32
        %dma_wait3A_289 = tpu.memref_slice %arg6[%dma_wait3A_286, %dma_wait3A_287, %dma_wait3A_288] : memref<5x128x128xf32, #tpu.memory_space<vmem>> -> memref<1x128x128xf32, #tpu.memory_space<vmem>>
        %dma_wait3A_290 = tpu.memref_squeeze %dma_wait3A_289 : memref<1x128x128xf32, #tpu.memory_space<vmem>> -> memref<128x128xf32, #tpu.memory_space<vmem>>
        %dma_wait3A_291 = arith.constant 0 : i32
        %dma_wait3A_292 = tpu.memref_slice %arg2[%dma_wait3A_291, %mul3A_0] : memref<50000x256xf32, #tpu.memory_space<hbm>> -> memref<128x128xf32, #tpu.memory_space<hbm>>
        %dma_wait3A_293 = arith.constant 0 : i32
        %dma_wait3A_294 = arith.constant 0 : i32
        %dma_wait3A_295 = tpu.memref_slice %arg6[%dma_wait3A_286, %dma_wait3A_293, %dma_wait3A_294] : memref<5x128x128xf32, #tpu.memory_space<vmem>> -> memref<1x128x128xf32, #tpu.memory_space<vmem>>
        %dma_wait3A_296 = tpu.memref_squeeze %dma_wait3A_295 : memref<1x128x128xf32, #tpu.memory_space<vmem>> -> memref<128x128xf32, #tpu.memory_space<vmem>>
        %dma_wait3A_297 = arith.constant 0 : i32
        %dma_wait3A_298 = tpu.memref_slice %arg2[%dma_wait3A_297, %mul3A_0] : memref<50000x256xf32, #tpu.memory_space<hbm>> -> memref<128x128xf32, #tpu.memory_space<hbm>>
        tpu.wait_dma2 semaphore(%arg11 : memref<!tpu.dma_semaphore, #tpu.memory_space<semaphore_mem>>) src(%dma_wait3A_298 : memref<128x128xf32, #tpu.memory_space<hbm>>) dst(%dma_wait3A_296 : memref<128x128xf32, #tpu.memory_space<vmem>>)
        %dma_start3A_299 = arith.constant 0 : i32
        %dma_start3A_300 = arith.constant 0 : i32
        %dma_start3A_301 = arith.constant 0 : i32
        %dma_start3A_302 = tpu.memref_slice %arg6[%dma_start3A_299, %dma_start3A_300, %dma_start3A_301] : memref<5x128x128xf32, #tpu.memory_space<vmem>> -> memref<1x128x128xf32, #tpu.memory_space<vmem>>
        %dma_start3A_303 = tpu.memref_squeeze %dma_start3A_302 : memref<1x128x128xf32, #tpu.memory_space<vmem>> -> memref<128x128xf32, #tpu.memory_space<vmem>>
        %dma_start3A_304 = arith.constant 0 : i32
        %dma_start3A_305 = tpu.memref_slice %arg5[%sub3A_180, %dma_start3A_304] : memref<9x128xi32, #tpu.memory_space<vmem>> -> memref<1x128xi32, #tpu.memory_space<vmem>>
        %dma_start3A_306 = tpu.memref_squeeze %dma_start3A_305 : memref<1x128xi32, #tpu.memory_space<vmem>> -> memref<128xi32, #tpu.memory_space<vmem>>
        %dma_start3A_307 = arith.constant 0 : i32
        %dma_start3A_308 = arith.constant 0 : i32
        %dma_start3A_309 = tpu.memref_slice %arg10[%dma_start3A_307, %dma_start3A_308] : memref<512x128xf32, #tpu.memory_space<vmem_shared>> -> memref<512x128xf32, #tpu.memory_space<vmem_shared>>
        tpu.enqueue_indirect_dma source(%dma_start3A_303 : memref<128x128xf32, #tpu.memory_space<vmem>>) target(%dma_start3A_309 : memref<512x128xf32, #tpu.memory_space<vmem_shared>>) offsets(%dma_start3A_306 : memref<128xi32, #tpu.memory_space<vmem>>) semaphore(%arg16 : memref<!tpu.dma_semaphore, #tpu.memory_space<semaphore_mem>>) {add = true}
      } else {
      }
      %mul3A_188 = arith.constant 5 : i32
      %mul3A_189 = arith.muli %scan3A_130, %mul3A_188 : i32
      %add3A_190 = arith.constant 2 : i32
      %add3A_191 = arith.addi %mul3A_189, %add3A_190 : i32
      %ge3A_192 = arith.constant 1 : i32
      %ge3A_193 = arith.cmpi sge, %scan3A_130, %ge3A_192 : i32
      %sub3A_194 = arith.constant 5 : i32
      %sub3A_195 = arith.subi %add3A_191, %sub3A_194 : i32
      %lt3A_196 = arith.cmpi slt, %sub3A_195, %select_n3A : i32
      %and3A_197 = arith.andi %ge3A_193, %lt3A_196 : i1
      %convert_element_type3A_198 = arith.extui %and3A_197 : i1 to i32
      %cond3A_199 = arith.constant 0 : i32
      %cond3A_200 = arith.cmpi ne, %convert_element_type3A_198, %cond3A_199 : i32
      scf.if %cond3A_200 {
        %dma_wait3A = arith.constant 2 : i32
        %dma_wait3A_276 = arith.constant 0 : i32
        %dma_wait3A_277 = arith.constant 0 : i32
        %dma_wait3A_278 = tpu.memref_slice %arg6[%dma_wait3A, %dma_wait3A_276, %dma_wait3A_277] : memref<5x128x128xf32, #tpu.memory_space<vmem>> -> memref<1x128x128xf32, #tpu.memory_space<vmem>>
        %dma_wait3A_279 = tpu.memref_squeeze %dma_wait3A_278 : memref<1x128x128xf32, #tpu.memory_space<vmem>> -> memref<128x128xf32, #tpu.memory_space<vmem>>
        %dma_wait3A_280 = arith.constant 0 : i32
        %dma_wait3A_281 = tpu.memref_slice %arg2[%dma_wait3A_280, %mul3A_0] : memref<50000x256xf32, #tpu.memory_space<hbm>> -> memref<128x128xf32, #tpu.memory_space<hbm>>
        %dma_wait3A_282 = arith.constant 0 : i32
        %dma_wait3A_283 = arith.constant 0 : i32
        %dma_wait3A_284 = tpu.memref_slice %arg6[%dma_wait3A, %dma_wait3A_282, %dma_wait3A_283] : memref<5x128x128xf32, #tpu.memory_space<vmem>> -> memref<1x128x128xf32, #tpu.memory_space<vmem>>
        %dma_wait3A_285 = tpu.memref_squeeze %dma_wait3A_284 : memref<1x128x128xf32, #tpu.memory_space<vmem>> -> memref<128x128xf32, #tpu.memory_space<vmem>>
        %dma_wait3A_286 = arith.constant 0 : i32
        %dma_wait3A_287 = tpu.memref_slice %arg2[%dma_wait3A_286, %mul3A_0] : memref<50000x256xf32, #tpu.memory_space<hbm>> -> memref<128x128xf32, #tpu.memory_space<hbm>>
        tpu.wait_dma2 semaphore(%arg18 : memref<!tpu.dma_semaphore, #tpu.memory_space<semaphore_mem>>) src(%dma_wait3A_287 : memref<128x128xf32, #tpu.memory_space<hbm>>) dst(%dma_wait3A_285 : memref<128x128xf32, #tpu.memory_space<vmem>>)
      } else {
      }
      %ge3A_201 = arith.constant 2 : i32
      %ge3A_202 = arith.cmpi sge, %add3A_191, %ge3A_201 : i32
      %lt3A_203 = arith.cmpi slt, %add3A_191, %select_n3A : i32
      %and3A_204 = arith.andi %ge3A_202, %lt3A_203 : i1
      %convert_element_type3A_205 = arith.extui %and3A_204 : i1 to i32
      %cond3A_206 = arith.constant 0 : i32
      %cond3A_207 = arith.cmpi ne, %convert_element_type3A_205, %cond3A_206 : i32
      scf.if %cond3A_207 {
        %mul3A_276 = arith.constant 16 : i32
        %mul3A_277 = arith.muli %add3A_191, %mul3A_276 : i32
        %add3A_278 = arith.addi %arg1, %mul3A_277 : i32
        %mul3A_279 = arith.constant 128 : i32
        %mul3A_280 = arith.muli %add3A_278, %mul3A_279 : i32
        %add3A_281 = arith.constant 32768 : i32
        %add3A_282 = arith.addi %add3A_281, %mul3A_280 : i32
        %dma_start3A_283 = arith.constant 0 : i32
        %dma_start3A_284 = tpu.memref_slice %arg5[%add3A_191, %dma_start3A_283] : memref<9x128xi32, #tpu.memory_space<vmem>> -> memref<1x128xi32, #tpu.memory_space<vmem>>
        %dma_start3A_285 = tpu.memref_squeeze %dma_start3A_284 : memref<1x128xi32, #tpu.memory_space<vmem>> -> memref<128xi32, #tpu.memory_space<vmem>>
        %dma_start3A_286 = tpu.memref_slice %arg3[%add3A_282] : memref<50000xi32, #tpu.memory_space<hbm>> -> memref<128xi32, #tpu.memory_space<hbm>>
        %dma_start3A_287 = arith.constant 0 : i32
        %dma_start3A_288 = tpu.memref_slice %arg5[%add3A_191, %dma_start3A_287] : memref<9x128xi32, #tpu.memory_space<vmem>> -> memref<1x128xi32, #tpu.memory_space<vmem>>
        %dma_start3A_289 = tpu.memref_squeeze %dma_start3A_288 : memref<1x128xi32, #tpu.memory_space<vmem>> -> memref<128xi32, #tpu.memory_space<vmem>>
        %dma_start3A_290 = tpu.memref_slice %arg3[%add3A_282] : memref<50000xi32, #tpu.memory_space<hbm>> -> memref<128xi32, #tpu.memory_space<hbm>>
        tpu.enqueue_dma source(%dma_start3A_290 : memref<128xi32, #tpu.memory_space<hbm>>) target(%dma_start3A_289 : memref<128xi32, #tpu.memory_space<vmem>>) target_semaphore(%arg13 : memref<!tpu.dma_semaphore, #tpu.memory_space<semaphore_mem>>)
        %dma_start3A_291 = arith.constant 2 : i32
        %dma_start3A_292 = arith.constant 0 : i32
        %dma_start3A_293 = arith.constant 0 : i32
        %dma_start3A_294 = tpu.memref_slice %arg6[%dma_start3A_291, %dma_start3A_292, %dma_start3A_293] : memref<5x128x128xf32, #tpu.memory_space<vmem>> -> memref<1x128x128xf32, #tpu.memory_space<vmem>>
        %dma_start3A_295 = tpu.memref_squeeze %dma_start3A_294 : memref<1x128x128xf32, #tpu.memory_space<vmem>> -> memref<128x128xf32, #tpu.memory_space<vmem>>
        %dma_start3A_296 = tpu.memref_slice %arg2[%add3A_282, %mul3A_0] : memref<50000x256xf32, #tpu.memory_space<hbm>> -> memref<128x128xf32, #tpu.memory_space<hbm>>
        %dma_start3A_297 = arith.constant 0 : i32
        %dma_start3A_298 = arith.constant 0 : i32
        %dma_start3A_299 = tpu.memref_slice %arg6[%dma_start3A_291, %dma_start3A_297, %dma_start3A_298] : memref<5x128x128xf32, #tpu.memory_space<vmem>> -> memref<1x128x128xf32, #tpu.memory_space<vmem>>
        %dma_start3A_300 = tpu.memref_squeeze %dma_start3A_299 : memref<1x128x128xf32, #tpu.memory_space<vmem>> -> memref<128x128xf32, #tpu.memory_space<vmem>>
        %dma_start3A_301 = tpu.memref_slice %arg2[%add3A_282, %mul3A_0] : memref<50000x256xf32, #tpu.memory_space<hbm>> -> memref<128x128xf32, #tpu.memory_space<hbm>>
        tpu.enqueue_dma source(%dma_start3A_301 : memref<128x128xf32, #tpu.memory_space<hbm>>) target(%dma_start3A_300 : memref<128x128xf32, #tpu.memory_space<vmem>>) target_semaphore(%arg13 : memref<!tpu.dma_semaphore, #tpu.memory_space<semaphore_mem>>)
      } else {
      }
      %sub3A_208 = arith.constant 1 : i32
      %sub3A_209 = arith.subi %add3A_191, %sub3A_208 : i32
      %ge3A_210 = arith.constant 0 : i32
      %ge3A_211 = arith.cmpi sge, %sub3A_209, %ge3A_210 : i32
      %lt3A_212 = arith.cmpi slt, %sub3A_209, %select_n3A : i32
      %and3A_213 = arith.andi %ge3A_211, %lt3A_212 : i1
      %convert_element_type3A_214 = arith.extui %and3A_213 : i1 to i32
      %cond3A_215 = arith.constant 0 : i32
      %cond3A_216 = arith.cmpi ne, %convert_element_type3A_214, %cond3A_215 : i32
      scf.if %cond3A_216 {
        %dma_wait3A = arith.constant 0 : i32
        %dma_wait3A_276 = arith.constant 0 : i32
        %dma_wait3A_277 = tpu.memref_slice %arg5[%dma_wait3A, %dma_wait3A_276] : memref<9x128xi32, #tpu.memory_space<vmem>> -> memref<1x128xi32, #tpu.memory_space<vmem>>
        %dma_wait3A_278 = tpu.memref_squeeze %dma_wait3A_277 : memref<1x128xi32, #tpu.memory_space<vmem>> -> memref<128xi32, #tpu.memory_space<vmem>>
        %dma_wait3A_279 = arith.constant 0 : i32
        %dma_wait3A_280 = tpu.memref_slice %arg3[%dma_wait3A_279] : memref<50000xi32, #tpu.memory_space<hbm>> -> memref<128xi32, #tpu.memory_space<hbm>>
        %dma_wait3A_281 = arith.constant 0 : i32
        %dma_wait3A_282 = tpu.memref_slice %arg5[%dma_wait3A, %dma_wait3A_281] : memref<9x128xi32, #tpu.memory_space<vmem>> -> memref<1x128xi32, #tpu.memory_space<vmem>>
        %dma_wait3A_283 = tpu.memref_squeeze %dma_wait3A_282 : memref<1x128xi32, #tpu.memory_space<vmem>> -> memref<128xi32, #tpu.memory_space<vmem>>
        %dma_wait3A_284 = arith.constant 0 : i32
        %dma_wait3A_285 = tpu.memref_slice %arg3[%dma_wait3A_284] : memref<50000xi32, #tpu.memory_space<hbm>> -> memref<128xi32, #tpu.memory_space<hbm>>
        tpu.wait_dma2 semaphore(%arg12 : memref<!tpu.dma_semaphore, #tpu.memory_space<semaphore_mem>>) src(%dma_wait3A_285 : memref<128xi32, #tpu.memory_space<hbm>>) dst(%dma_wait3A_283 : memref<128xi32, #tpu.memory_space<vmem>>)
        %dma_wait3A_286 = arith.constant 1 : i32
        %dma_wait3A_287 = arith.constant 0 : i32
        %dma_wait3A_288 = arith.constant 0 : i32
        %dma_wait3A_289 = tpu.memref_slice %arg6[%dma_wait3A_286, %dma_wait3A_287, %dma_wait3A_288] : memref<5x128x128xf32, #tpu.memory_space<vmem>> -> memref<1x128x128xf32, #tpu.memory_space<vmem>>
        %dma_wait3A_290 = tpu.memref_squeeze %dma_wait3A_289 : memref<1x128x128xf32, #tpu.memory_space<vmem>> -> memref<128x128xf32, #tpu.memory_space<vmem>>
        %dma_wait3A_291 = arith.constant 0 : i32
        %dma_wait3A_292 = tpu.memref_slice %arg2[%dma_wait3A_291, %mul3A_0] : memref<50000x256xf32, #tpu.memory_space<hbm>> -> memref<128x128xf32, #tpu.memory_space<hbm>>
        %dma_wait3A_293 = arith.constant 0 : i32
        %dma_wait3A_294 = arith.constant 0 : i32
        %dma_wait3A_295 = tpu.memref_slice %arg6[%dma_wait3A_286, %dma_wait3A_293, %dma_wait3A_294] : memref<5x128x128xf32, #tpu.memory_space<vmem>> -> memref<1x128x128xf32, #tpu.memory_space<vmem>>
        %dma_wait3A_296 = tpu.memref_squeeze %dma_wait3A_295 : memref<1x128x128xf32, #tpu.memory_space<vmem>> -> memref<128x128xf32, #tpu.memory_space<vmem>>
        %dma_wait3A_297 = arith.constant 0 : i32
        %dma_wait3A_298 = tpu.memref_slice %arg2[%dma_wait3A_297, %mul3A_0] : memref<50000x256xf32, #tpu.memory_space<hbm>> -> memref<128x128xf32, #tpu.memory_space<hbm>>
        tpu.wait_dma2 semaphore(%arg12 : memref<!tpu.dma_semaphore, #tpu.memory_space<semaphore_mem>>) src(%dma_wait3A_298 : memref<128x128xf32, #tpu.memory_space<hbm>>) dst(%dma_wait3A_296 : memref<128x128xf32, #tpu.memory_space<vmem>>)
        %dma_start3A_299 = arith.constant 1 : i32
        %dma_start3A_300 = arith.constant 0 : i32
        %dma_start3A_301 = arith.constant 0 : i32
        %dma_start3A_302 = tpu.memref_slice %arg6[%dma_start3A_299, %dma_start3A_300, %dma_start3A_301] : memref<5x128x128xf32, #tpu.memory_space<vmem>> -> memref<1x128x128xf32, #tpu.memory_space<vmem>>
        %dma_start3A_303 = tpu.memref_squeeze %dma_start3A_302 : memref<1x128x128xf32, #tpu.memory_space<vmem>> -> memref<128x128xf32, #tpu.memory_space<vmem>>
        %dma_start3A_304 = arith.constant 0 : i32
        %dma_start3A_305 = tpu.memref_slice %arg5[%sub3A_209, %dma_start3A_304] : memref<9x128xi32, #tpu.memory_space<vmem>> -> memref<1x128xi32, #tpu.memory_space<vmem>>
        %dma_start3A_306 = tpu.memref_squeeze %dma_start3A_305 : memref<1x128xi32, #tpu.memory_space<vmem>> -> memref<128xi32, #tpu.memory_space<vmem>>
        %dma_start3A_307 = arith.constant 0 : i32
        %dma_start3A_308 = arith.constant 0 : i32
        %dma_start3A_309 = tpu.memref_slice %arg10[%dma_start3A_307, %dma_start3A_308] : memref<512x128xf32, #tpu.memory_space<vmem_shared>> -> memref<512x128xf32, #tpu.memory_space<vmem_shared>>
        tpu.enqueue_indirect_dma source(%dma_start3A_303 : memref<128x128xf32, #tpu.memory_space<vmem>>) target(%dma_start3A_309 : memref<512x128xf32, #tpu.memory_space<vmem_shared>>) offsets(%dma_start3A_306 : memref<128xi32, #tpu.memory_space<vmem>>) semaphore(%arg17 : memref<!tpu.dma_semaphore, #tpu.memory_space<semaphore_mem>>) {add = true}
      } else {
      }
      %mul3A_217 = arith.constant 5 : i32
      %mul3A_218 = arith.muli %scan3A_130, %mul3A_217 : i32
      %add3A_219 = arith.constant 3 : i32
      %add3A_220 = arith.addi %mul3A_218, %add3A_219 : i32
      %ge3A_221 = arith.constant 1 : i32
      %ge3A_222 = arith.cmpi sge, %scan3A_130, %ge3A_221 : i32
      %sub3A_223 = arith.constant 5 : i32
      %sub3A_224 = arith.subi %add3A_220, %sub3A_223 : i32
      %lt3A_225 = arith.cmpi slt, %sub3A_224, %select_n3A : i32
      %and3A_226 = arith.andi %ge3A_222, %lt3A_225 : i1
      %convert_element_type3A_227 = arith.extui %and3A_226 : i1 to i32
      %cond3A_228 = arith.constant 0 : i32
      %cond3A_229 = arith.cmpi ne, %convert_element_type3A_227, %cond3A_228 : i32
      scf.if %cond3A_229 {
        %dma_wait3A = arith.constant 3 : i32
        %dma_wait3A_276 = arith.constant 0 : i32
        %dma_wait3A_277 = arith.constant 0 : i32
        %dma_wait3A_278 = tpu.memref_slice %arg6[%dma_wait3A, %dma_wait3A_276, %dma_wait3A_277] : memref<5x128x128xf32, #tpu.memory_space<vmem>> -> memref<1x128x128xf32, #tpu.memory_space<vmem>>
        %dma_wait3A_279 = tpu.memref_squeeze %dma_wait3A_278 : memref<1x128x128xf32, #tpu.memory_space<vmem>> -> memref<128x128xf32, #tpu.memory_space<vmem>>
        %dma_wait3A_280 = arith.constant 0 : i32
        %dma_wait3A_281 = tpu.memref_slice %arg2[%dma_wait3A_280, %mul3A_0] : memref<50000x256xf32, #tpu.memory_space<hbm>> -> memref<128x128xf32, #tpu.memory_space<hbm>>
        %dma_wait3A_282 = arith.constant 0 : i32
        %dma_wait3A_283 = arith.constant 0 : i32
        %dma_wait3A_284 = tpu.memref_slice %arg6[%dma_wait3A, %dma_wait3A_282, %dma_wait3A_283] : memref<5x128x128xf32, #tpu.memory_space<vmem>> -> memref<1x128x128xf32, #tpu.memory_space<vmem>>
        %dma_wait3A_285 = tpu.memref_squeeze %dma_wait3A_284 : memref<1x128x128xf32, #tpu.memory_space<vmem>> -> memref<128x128xf32, #tpu.memory_space<vmem>>
        %dma_wait3A_286 = arith.constant 0 : i32
        %dma_wait3A_287 = tpu.memref_slice %arg2[%dma_wait3A_286, %mul3A_0] : memref<50000x256xf32, #tpu.memory_space<hbm>> -> memref<128x128xf32, #tpu.memory_space<hbm>>
        tpu.wait_dma2 semaphore(%arg19 : memref<!tpu.dma_semaphore, #tpu.memory_space<semaphore_mem>>) src(%dma_wait3A_287 : memref<128x128xf32, #tpu.memory_space<hbm>>) dst(%dma_wait3A_285 : memref<128x128xf32, #tpu.memory_space<vmem>>)
      } else {
      }
      %ge3A_230 = arith.constant 2 : i32
      %ge3A_231 = arith.cmpi sge, %add3A_220, %ge3A_230 : i32
      %lt3A_232 = arith.cmpi slt, %add3A_220, %select_n3A : i32
      %and3A_233 = arith.andi %ge3A_231, %lt3A_232 : i1
      %convert_element_type3A_234 = arith.extui %and3A_233 : i1 to i32
      %cond3A_235 = arith.constant 0 : i32
      %cond3A_236 = arith.cmpi ne, %convert_element_type3A_234, %cond3A_235 : i32
      scf.if %cond3A_236 {
        %mul3A_276 = arith.constant 16 : i32
        %mul3A_277 = arith.muli %add3A_220, %mul3A_276 : i32
        %add3A_278 = arith.addi %arg1, %mul3A_277 : i32
        %mul3A_279 = arith.constant 128 : i32
        %mul3A_280 = arith.muli %add3A_278, %mul3A_279 : i32
        %add3A_281 = arith.constant 32768 : i32
        %add3A_282 = arith.addi %add3A_281, %mul3A_280 : i32
        %dma_start3A_283 = arith.constant 0 : i32
        %dma_start3A_284 = tpu.memref_slice %arg5[%add3A_220, %dma_start3A_283] : memref<9x128xi32, #tpu.memory_space<vmem>> -> memref<1x128xi32, #tpu.memory_space<vmem>>
        %dma_start3A_285 = tpu.memref_squeeze %dma_start3A_284 : memref<1x128xi32, #tpu.memory_space<vmem>> -> memref<128xi32, #tpu.memory_space<vmem>>
        %dma_start3A_286 = tpu.memref_slice %arg3[%add3A_282] : memref<50000xi32, #tpu.memory_space<hbm>> -> memref<128xi32, #tpu.memory_space<hbm>>
        %dma_start3A_287 = arith.constant 0 : i32
        %dma_start3A_288 = tpu.memref_slice %arg5[%add3A_220, %dma_start3A_287] : memref<9x128xi32, #tpu.memory_space<vmem>> -> memref<1x128xi32, #tpu.memory_space<vmem>>
        %dma_start3A_289 = tpu.memref_squeeze %dma_start3A_288 : memref<1x128xi32, #tpu.memory_space<vmem>> -> memref<128xi32, #tpu.memory_space<vmem>>
        %dma_start3A_290 = tpu.memref_slice %arg3[%add3A_282] : memref<50000xi32, #tpu.memory_space<hbm>> -> memref<128xi32, #tpu.memory_space<hbm>>
        tpu.enqueue_dma source(%dma_start3A_290 : memref<128xi32, #tpu.memory_space<hbm>>) target(%dma_start3A_289 : memref<128xi32, #tpu.memory_space<vmem>>) target_semaphore(%arg14 : memref<!tpu.dma_semaphore, #tpu.memory_space<semaphore_mem>>)
        %dma_start3A_291 = arith.constant 3 : i32
        %dma_start3A_292 = arith.constant 0 : i32
        %dma_start3A_293 = arith.constant 0 : i32
        %dma_start3A_294 = tpu.memref_slice %arg6[%dma_start3A_291, %dma_start3A_292, %dma_start3A_293] : memref<5x128x128xf32, #tpu.memory_space<vmem>> -> memref<1x128x128xf32, #tpu.memory_space<vmem>>
        %dma_start3A_295 = tpu.memref_squeeze %dma_start3A_294 : memref<1x128x128xf32, #tpu.memory_space<vmem>> -> memref<128x128xf32, #tpu.memory_space<vmem>>
        %dma_start3A_296 = tpu.memref_slice %arg2[%add3A_282, %mul3A_0] : memref<50000x256xf32, #tpu.memory_space<hbm>> -> memref<128x128xf32, #tpu.memory_space<hbm>>
        %dma_start3A_297 = arith.constant 0 : i32
        %dma_start3A_298 = arith.constant 0 : i32
        %dma_start3A_299 = tpu.memref_slice %arg6[%dma_start3A_291, %dma_start3A_297, %dma_start3A_298] : memref<5x128x128xf32, #tpu.memory_space<vmem>> -> memref<1x128x128xf32, #tpu.memory_space<vmem>>
        %dma_start3A_300 = tpu.memref_squeeze %dma_start3A_299 : memref<1x128x128xf32, #tpu.memory_space<vmem>> -> memref<128x128xf32, #tpu.memory_space<vmem>>
        %dma_start3A_301 = tpu.memref_slice %arg2[%add3A_282, %mul3A_0] : memref<50000x256xf32, #tpu.memory_space<hbm>> -> memref<128x128xf32, #tpu.memory_space<hbm>>
        tpu.enqueue_dma source(%dma_start3A_301 : memref<128x128xf32, #tpu.memory_space<hbm>>) target(%dma_start3A_300 : memref<128x128xf32, #tpu.memory_space<vmem>>) target_semaphore(%arg14 : memref<!tpu.dma_semaphore, #tpu.memory_space<semaphore_mem>>)
      } else {
      }
      %sub3A_237 = arith.constant 1 : i32
      %sub3A_238 = arith.subi %add3A_220, %sub3A_237 : i32
      %ge3A_239 = arith.constant 0 : i32
      %ge3A_240 = arith.cmpi sge, %sub3A_238, %ge3A_239 : i32
      %lt3A_241 = arith.cmpi slt, %sub3A_238, %select_n3A : i32
      %and3A_242 = arith.andi %ge3A_240, %lt3A_241 : i1
      %convert_element_type3A_243 = arith.extui %and3A_242 : i1 to i32
      %cond3A_244 = arith.constant 0 : i32
      %cond3A_245 = arith.cmpi ne, %convert_element_type3A_243, %cond3A_244 : i32
      scf.if %cond3A_245 {
        %dma_wait3A = arith.constant 0 : i32
        %dma_wait3A_276 = arith.constant 0 : i32
        %dma_wait3A_277 = tpu.memref_slice %arg5[%dma_wait3A, %dma_wait3A_276] : memref<9x128xi32, #tpu.memory_space<vmem>> -> memref<1x128xi32, #tpu.memory_space<vmem>>
        %dma_wait3A_278 = tpu.memref_squeeze %dma_wait3A_277 : memref<1x128xi32, #tpu.memory_space<vmem>> -> memref<128xi32, #tpu.memory_space<vmem>>
        %dma_wait3A_279 = arith.constant 0 : i32
        %dma_wait3A_280 = tpu.memref_slice %arg3[%dma_wait3A_279] : memref<50000xi32, #tpu.memory_space<hbm>> -> memref<128xi32, #tpu.memory_space<hbm>>
        %dma_wait3A_281 = arith.constant 0 : i32
        %dma_wait3A_282 = tpu.memref_slice %arg5[%dma_wait3A, %dma_wait3A_281] : memref<9x128xi32, #tpu.memory_space<vmem>> -> memref<1x128xi32, #tpu.memory_space<vmem>>
        %dma_wait3A_283 = tpu.memref_squeeze %dma_wait3A_282 : memref<1x128xi32, #tpu.memory_space<vmem>> -> memref<128xi32, #tpu.memory_space<vmem>>
        %dma_wait3A_284 = arith.constant 0 : i32
        %dma_wait3A_285 = tpu.memref_slice %arg3[%dma_wait3A_284] : memref<50000xi32, #tpu.memory_space<hbm>> -> memref<128xi32, #tpu.memory_space<hbm>>
        tpu.wait_dma2 semaphore(%arg13 : memref<!tpu.dma_semaphore, #tpu.memory_space<semaphore_mem>>) src(%dma_wait3A_285 : memref<128xi32, #tpu.memory_space<hbm>>) dst(%dma_wait3A_283 : memref<128xi32, #tpu.memory_space<vmem>>)
        %dma_wait3A_286 = arith.constant 2 : i32
        %dma_wait3A_287 = arith.constant 0 : i32
        %dma_wait3A_288 = arith.constant 0 : i32
        %dma_wait3A_289 = tpu.memref_slice %arg6[%dma_wait3A_286, %dma_wait3A_287, %dma_wait3A_288] : memref<5x128x128xf32, #tpu.memory_space<vmem>> -> memref<1x128x128xf32, #tpu.memory_space<vmem>>
        %dma_wait3A_290 = tpu.memref_squeeze %dma_wait3A_289 : memref<1x128x128xf32, #tpu.memory_space<vmem>> -> memref<128x128xf32, #tpu.memory_space<vmem>>
        %dma_wait3A_291 = arith.constant 0 : i32
        %dma_wait3A_292 = tpu.memref_slice %arg2[%dma_wait3A_291, %mul3A_0] : memref<50000x256xf32, #tpu.memory_space<hbm>> -> memref<128x128xf32, #tpu.memory_space<hbm>>
        %dma_wait3A_293 = arith.constant 0 : i32
        %dma_wait3A_294 = arith.constant 0 : i32
        %dma_wait3A_295 = tpu.memref_slice %arg6[%dma_wait3A_286, %dma_wait3A_293, %dma_wait3A_294] : memref<5x128x128xf32, #tpu.memory_space<vmem>> -> memref<1x128x128xf32, #tpu.memory_space<vmem>>
        %dma_wait3A_296 = tpu.memref_squeeze %dma_wait3A_295 : memref<1x128x128xf32, #tpu.memory_space<vmem>> -> memref<128x128xf32, #tpu.memory_space<vmem>>
        %dma_wait3A_297 = arith.constant 0 : i32
        %dma_wait3A_298 = tpu.memref_slice %arg2[%dma_wait3A_297, %mul3A_0] : memref<50000x256xf32, #tpu.memory_space<hbm>> -> memref<128x128xf32, #tpu.memory_space<hbm>>
        tpu.wait_dma2 semaphore(%arg13 : memref<!tpu.dma_semaphore, #tpu.memory_space<semaphore_mem>>) src(%dma_wait3A_298 : memref<128x128xf32, #tpu.memory_space<hbm>>) dst(%dma_wait3A_296 : memref<128x128xf32, #tpu.memory_space<vmem>>)
        %dma_start3A_299 = arith.constant 2 : i32
        %dma_start3A_300 = arith.constant 0 : i32
        %dma_start3A_301 = arith.constant 0 : i32
        %dma_start3A_302 = tpu.memref_slice %arg6[%dma_start3A_299, %dma_start3A_300, %dma_start3A_301] : memref<5x128x128xf32, #tpu.memory_space<vmem>> -> memref<1x128x128xf32, #tpu.memory_space<vmem>>
        %dma_start3A_303 = tpu.memref_squeeze %dma_start3A_302 : memref<1x128x128xf32, #tpu.memory_space<vmem>> -> memref<128x128xf32, #tpu.memory_space<vmem>>
        %dma_start3A_304 = arith.constant 0 : i32
        %dma_start3A_305 = tpu.memref_slice %arg5[%sub3A_238, %dma_start3A_304] : memref<9x128xi32, #tpu.memory_space<vmem>> -> memref<1x128xi32, #tpu.memory_space<vmem>>
        %dma_start3A_306 = tpu.memref_squeeze %dma_start3A_305 : memref<1x128xi32, #tpu.memory_space<vmem>> -> memref<128xi32, #tpu.memory_space<vmem>>
        %dma_start3A_307 = arith.constant 0 : i32
        %dma_start3A_308 = arith.constant 0 : i32
        %dma_start3A_309 = tpu.memref_slice %arg10[%dma_start3A_307, %dma_start3A_308] : memref<512x128xf32, #tpu.memory_space<vmem_shared>> -> memref<512x128xf32, #tpu.memory_space<vmem_shared>>
        tpu.enqueue_indirect_dma source(%dma_start3A_303 : memref<128x128xf32, #tpu.memory_space<vmem>>) target(%dma_start3A_309 : memref<512x128xf32, #tpu.memory_space<vmem_shared>>) offsets(%dma_start3A_306 : memref<128xi32, #tpu.memory_space<vmem>>) semaphore(%arg18 : memref<!tpu.dma_semaphore, #tpu.memory_space<semaphore_mem>>) {add = true}
      } else {
      }
      %mul3A_246 = arith.constant 5 : i32
      %mul3A_247 = arith.muli %scan3A_130, %mul3A_246 : i32
      %add3A_248 = arith.constant 4 : i32
      %add3A_249 = arith.addi %mul3A_247, %add3A_248 : i32
      %ge3A_250 = arith.constant 1 : i32
      %ge3A_251 = arith.cmpi sge, %scan3A_130, %ge3A_250 : i32
      %sub3A_252 = arith.constant 5 : i32
      %sub3A_253 = arith.subi %add3A_249, %sub3A_252 : i32
      %lt3A_254 = arith.cmpi slt, %sub3A_253, %select_n3A : i32
      %and3A_255 = arith.andi %ge3A_251, %lt3A_254 : i1
      %convert_element_type3A_256 = arith.extui %and3A_255 : i1 to i32
      %cond3A_257 = arith.constant 0 : i32
      %cond3A_258 = arith.cmpi ne, %convert_element_type3A_256, %cond3A_257 : i32
      scf.if %cond3A_258 {
        %dma_wait3A = arith.constant 4 : i32
        %dma_wait3A_276 = arith.constant 0 : i32
        %dma_wait3A_277 = arith.constant 0 : i32
        %dma_wait3A_278 = tpu.memref_slice %arg6[%dma_wait3A, %dma_wait3A_276, %dma_wait3A_277] : memref<5x128x128xf32, #tpu.memory_space<vmem>> -> memref<1x128x128xf32, #tpu.memory_space<vmem>>
        %dma_wait3A_279 = tpu.memref_squeeze %dma_wait3A_278 : memref<1x128x128xf32, #tpu.memory_space<vmem>> -> memref<128x128xf32, #tpu.memory_space<vmem>>
        %dma_wait3A_280 = arith.constant 0 : i32
        %dma_wait3A_281 = tpu.memref_slice %arg2[%dma_wait3A_280, %mul3A_0] : memref<50000x256xf32, #tpu.memory_space<hbm>> -> memref<128x128xf32, #tpu.memory_space<hbm>>
        %dma_wait3A_282 = arith.constant 0 : i32
        %dma_wait3A_283 = arith.constant 0 : i32
        %dma_wait3A_284 = tpu.memref_slice %arg6[%dma_wait3A, %dma_wait3A_282, %dma_wait3A_283] : memref<5x128x128xf32, #tpu.memory_space<vmem>> -> memref<1x128x128xf32, #tpu.memory_space<vmem>>
        %dma_wait3A_285 = tpu.memref_squeeze %dma_wait3A_284 : memref<1x128x128xf32, #tpu.memory_space<vmem>> -> memref<128x128xf32, #tpu.memory_space<vmem>>
        %dma_wait3A_286 = arith.constant 0 : i32
        %dma_wait3A_287 = tpu.memref_slice %arg2[%dma_wait3A_286, %mul3A_0] : memref<50000x256xf32, #tpu.memory_space<hbm>> -> memref<128x128xf32, #tpu.memory_space<hbm>>
        tpu.wait_dma2 semaphore(%arg20 : memref<!tpu.dma_semaphore, #tpu.memory_space<semaphore_mem>>) src(%dma_wait3A_287 : memref<128x128xf32, #tpu.memory_space<hbm>>) dst(%dma_wait3A_285 : memref<128x128xf32, #tpu.memory_space<vmem>>)
      } else {
      }
      %ge3A_259 = arith.constant 2 : i32
      %ge3A_260 = arith.cmpi sge, %add3A_249, %ge3A_259 : i32
      %lt3A_261 = arith.cmpi slt, %add3A_249, %select_n3A : i32
      %and3A_262 = arith.andi %ge3A_260, %lt3A_261 : i1
      %convert_element_type3A_263 = arith.extui %and3A_262 : i1 to i32
      %cond3A_264 = arith.constant 0 : i32
      %cond3A_265 = arith.cmpi ne, %convert_element_type3A_263, %cond3A_264 : i32
      scf.if %cond3A_265 {
        %mul3A_276 = arith.constant 16 : i32
        %mul3A_277 = arith.muli %add3A_249, %mul3A_276 : i32
        %add3A_278 = arith.addi %arg1, %mul3A_277 : i32
        %mul3A_279 = arith.constant 128 : i32
        %mul3A_280 = arith.muli %add3A_278, %mul3A_279 : i32
        %add3A_281 = arith.constant 32768 : i32
        %add3A_282 = arith.addi %add3A_281, %mul3A_280 : i32
        %dma_start3A_283 = arith.constant 0 : i32
        %dma_start3A_284 = tpu.memref_slice %arg5[%add3A_249, %dma_start3A_283] : memref<9x128xi32, #tpu.memory_space<vmem>> -> memref<1x128xi32, #tpu.memory_space<vmem>>
        %dma_start3A_285 = tpu.memref_squeeze %dma_start3A_284 : memref<1x128xi32, #tpu.memory_space<vmem>> -> memref<128xi32, #tpu.memory_space<vmem>>
        %dma_start3A_286 = tpu.memref_slice %arg3[%add3A_282] : memref<50000xi32, #tpu.memory_space<hbm>> -> memref<128xi32, #tpu.memory_space<hbm>>
        %dma_start3A_287 = arith.constant 0 : i32
        %dma_start3A_288 = tpu.memref_slice %arg5[%add3A_249, %dma_start3A_287] : memref<9x128xi32, #tpu.memory_space<vmem>> -> memref<1x128xi32, #tpu.memory_space<vmem>>
        %dma_start3A_289 = tpu.memref_squeeze %dma_start3A_288 : memref<1x128xi32, #tpu.memory_space<vmem>> -> memref<128xi32, #tpu.memory_space<vmem>>
        %dma_start3A_290 = tpu.memref_slice %arg3[%add3A_282] : memref<50000xi32, #tpu.memory_space<hbm>> -> memref<128xi32, #tpu.memory_space<hbm>>
        tpu.enqueue_dma source(%dma_start3A_290 : memref<128xi32, #tpu.memory_space<hbm>>) target(%dma_start3A_289 : memref<128xi32, #tpu.memory_space<vmem>>) target_semaphore(%arg15 : memref<!tpu.dma_semaphore, #tpu.memory_space<semaphore_mem>>)
        %dma_start3A_291 = arith.constant 4 : i32
        %dma_start3A_292 = arith.constant 0 : i32
        %dma_start3A_293 = arith.constant 0 : i32
        %dma_start3A_294 = tpu.memref_slice %arg6[%dma_start3A_291, %dma_start3A_292, %dma_start3A_293] : memref<5x128x128xf32, #tpu.memory_space<vmem>> -> memref<1x128x128xf32, #tpu.memory_space<vmem>>
        %dma_start3A_295 = tpu.memref_squeeze %dma_start3A_294 : memref<1x128x128xf32, #tpu.memory_space<vmem>> -> memref<128x128xf32, #tpu.memory_space<vmem>>
        %dma_start3A_296 = tpu.memref_slice %arg2[%add3A_282, %mul3A_0] : memref<50000x256xf32, #tpu.memory_space<hbm>> -> memref<128x128xf32, #tpu.memory_space<hbm>>
        %dma_start3A_297 = arith.constant 0 : i32
        %dma_start3A_298 = arith.constant 0 : i32
        %dma_start3A_299 = tpu.memref_slice %arg6[%dma_start3A_291, %dma_start3A_297, %dma_start3A_298] : memref<5x128x128xf32, #tpu.memory_space<vmem>> -> memref<1x128x128xf32, #tpu.memory_space<vmem>>
        %dma_start3A_300 = tpu.memref_squeeze %dma_start3A_299 : memref<1x128x128xf32, #tpu.memory_space<vmem>> -> memref<128x128xf32, #tpu.memory_space<vmem>>
        %dma_start3A_301 = tpu.memref_slice %arg2[%add3A_282, %mul3A_0] : memref<50000x256xf32, #tpu.memory_space<hbm>> -> memref<128x128xf32, #tpu.memory_space<hbm>>
        tpu.enqueue_dma source(%dma_start3A_301 : memref<128x128xf32, #tpu.memory_space<hbm>>) target(%dma_start3A_300 : memref<128x128xf32, #tpu.memory_space<vmem>>) target_semaphore(%arg15 : memref<!tpu.dma_semaphore, #tpu.memory_space<semaphore_mem>>)
      } else {
      }
      %sub3A_266 = arith.constant 1 : i32
      %sub3A_267 = arith.subi %add3A_249, %sub3A_266 : i32
      %ge3A_268 = arith.constant 0 : i32
      %ge3A_269 = arith.cmpi sge, %sub3A_267, %ge3A_268 : i32
      %lt3A_270 = arith.cmpi slt, %sub3A_267, %select_n3A : i32
      %and3A_271 = arith.andi %ge3A_269, %lt3A_270 : i1
      %convert_element_type3A_272 = arith.extui %and3A_271 : i1 to i32
      %cond3A_273 = arith.constant 0 : i32
      %cond3A_274 = arith.cmpi ne, %convert_element_type3A_272, %cond3A_273 : i32
      scf.if %cond3A_274 {
        %dma_wait3A = arith.constant 0 : i32
        %dma_wait3A_276 = arith.constant 0 : i32
        %dma_wait3A_277 = tpu.memref_slice %arg5[%dma_wait3A, %dma_wait3A_276] : memref<9x128xi32, #tpu.memory_space<vmem>> -> memref<1x128xi32, #tpu.memory_space<vmem>>
        %dma_wait3A_278 = tpu.memref_squeeze %dma_wait3A_277 : memref<1x128xi32, #tpu.memory_space<vmem>> -> memref<128xi32, #tpu.memory_space<vmem>>
        %dma_wait3A_279 = arith.constant 0 : i32
        %dma_wait3A_280 = tpu.memref_slice %arg3[%dma_wait3A_279] : memref<50000xi32, #tpu.memory_space<hbm>> -> memref<128xi32, #tpu.memory_space<hbm>>
        %dma_wait3A_281 = arith.constant 0 : i32
        %dma_wait3A_282 = tpu.memref_slice %arg5[%dma_wait3A, %dma_wait3A_281] : memref<9x128xi32, #tpu.memory_space<vmem>> -> memref<1x128xi32, #tpu.memory_space<vmem>>
        %dma_wait3A_283 = tpu.memref_squeeze %dma_wait3A_282 : memref<1x128xi32, #tpu.memory_space<vmem>> -> memref<128xi32, #tpu.memory_space<vmem>>
        %dma_wait3A_284 = arith.constant 0 : i32
        %dma_wait3A_285 = tpu.memref_slice %arg3[%dma_wait3A_284] : memref<50000xi32, #tpu.memory_space<hbm>> -> memref<128xi32, #tpu.memory_space<hbm>>
        tpu.wait_dma2 semaphore(%arg14 : memref<!tpu.dma_semaphore, #tpu.memory_space<semaphore_mem>>) src(%dma_wait3A_285 : memref<128xi32, #tpu.memory_space<hbm>>) dst(%dma_wait3A_283 : memref<128xi32, #tpu.memory_space<vmem>>)
        %dma_wait3A_286 = arith.constant 3 : i32
        %dma_wait3A_287 = arith.constant 0 : i32
        %dma_wait3A_288 = arith.constant 0 : i32
        %dma_wait3A_289 = tpu.memref_slice %arg6[%dma_wait3A_286, %dma_wait3A_287, %dma_wait3A_288] : memref<5x128x128xf32, #tpu.memory_space<vmem>> -> memref<1x128x128xf32, #tpu.memory_space<vmem>>
        %dma_wait3A_290 = tpu.memref_squeeze %dma_wait3A_289 : memref<1x128x128xf32, #tpu.memory_space<vmem>> -> memref<128x128xf32, #tpu.memory_space<vmem>>
        %dma_wait3A_291 = arith.constant 0 : i32
        %dma_wait3A_292 = tpu.memref_slice %arg2[%dma_wait3A_291, %mul3A_0] : memref<50000x256xf32, #tpu.memory_space<hbm>> -> memref<128x128xf32, #tpu.memory_space<hbm>>
        %dma_wait3A_293 = arith.constant 0 : i32
        %dma_wait3A_294 = arith.constant 0 : i32
        %dma_wait3A_295 = tpu.memref_slice %arg6[%dma_wait3A_286, %dma_wait3A_293, %dma_wait3A_294] : memref<5x128x128xf32, #tpu.memory_space<vmem>> -> memref<1x128x128xf32, #tpu.memory_space<vmem>>
        %dma_wait3A_296 = tpu.memref_squeeze %dma_wait3A_295 : memref<1x128x128xf32, #tpu.memory_space<vmem>> -> memref<128x128xf32, #tpu.memory_space<vmem>>
        %dma_wait3A_297 = arith.constant 0 : i32
        %dma_wait3A_298 = tpu.memref_slice %arg2[%dma_wait3A_297, %mul3A_0] : memref<50000x256xf32, #tpu.memory_space<hbm>> -> memref<128x128xf32, #tpu.memory_space<hbm>>
        tpu.wait_dma2 semaphore(%arg14 : memref<!tpu.dma_semaphore, #tpu.memory_space<semaphore_mem>>) src(%dma_wait3A_298 : memref<128x128xf32, #tpu.memory_space<hbm>>) dst(%dma_wait3A_296 : memref<128x128xf32, #tpu.memory_space<vmem>>)
        %dma_start3A_299 = arith.constant 3 : i32
        %dma_start3A_300 = arith.constant 0 : i32
        %dma_start3A_301 = arith.constant 0 : i32
        %dma_start3A_302 = tpu.memref_slice %arg6[%dma_start3A_299, %dma_start3A_300, %dma_start3A_301] : memref<5x128x128xf32, #tpu.memory_space<vmem>> -> memref<1x128x128xf32, #tpu.memory_space<vmem>>
        %dma_start3A_303 = tpu.memref_squeeze %dma_start3A_302 : memref<1x128x128xf32, #tpu.memory_space<vmem>> -> memref<128x128xf32, #tpu.memory_space<vmem>>
        %dma_start3A_304 = arith.constant 0 : i32
        %dma_start3A_305 = tpu.memref_slice %arg5[%sub3A_267, %dma_start3A_304] : memref<9x128xi32, #tpu.memory_space<vmem>> -> memref<1x128xi32, #tpu.memory_space<vmem>>
        %dma_start3A_306 = tpu.memref_squeeze %dma_start3A_305 : memref<1x128xi32, #tpu.memory_space<vmem>> -> memref<128xi32, #tpu.memory_space<vmem>>
        %dma_start3A_307 = arith.constant 0 : i32
        %dma_start3A_308 = arith.constant 0 : i32
        %dma_start3A_309 = tpu.memref_slice %arg10[%dma_start3A_307, %dma_start3A_308] : memref<512x128xf32, #tpu.memory_space<vmem_shared>> -> memref<512x128xf32, #tpu.memory_space<vmem_shared>>
        tpu.enqueue_indirect_dma source(%dma_start3A_303 : memref<128x128xf32, #tpu.memory_space<vmem>>) target(%dma_start3A_309 : memref<512x128xf32, #tpu.memory_space<vmem_shared>>) offsets(%dma_start3A_306 : memref<128xi32, #tpu.memory_space<vmem>>) semaphore(%arg19 : memref<!tpu.dma_semaphore, #tpu.memory_space<semaphore_mem>>) {add = true}
      } else {
      }
      %scan3A_275 = arith.constant 0 : i32
      scf.yield %scan3A_275 : i32
    }
    %scan3A_90 = arith.constant 2 : i32
    %gt3A = arith.constant 9 : i32
    %gt3A_91 = arith.cmpi sgt, %select_n3A, %gt3A : i32
    %convert_element_type3A_92 = arith.extui %gt3A_91 : i1 to i32
    %cond3A_93 = arith.constant 0 : i32
    %cond3A_94 = arith.cmpi ne, %convert_element_type3A_92, %cond3A_93 : i32
    scf.if %cond3A_94 {
      %dma_wait3A = arith.constant 0 : i32
      %dma_wait3A_130 = arith.constant 0 : i32
      %dma_wait3A_131 = tpu.memref_slice %arg5[%dma_wait3A, %dma_wait3A_130] : memref<9x128xi32, #tpu.memory_space<vmem>> -> memref<1x128xi32, #tpu.memory_space<vmem>>
      %dma_wait3A_132 = tpu.memref_squeeze %dma_wait3A_131 : memref<1x128xi32, #tpu.memory_space<vmem>> -> memref<128xi32, #tpu.memory_space<vmem>>
      %dma_wait3A_133 = arith.constant 0 : i32
      %dma_wait3A_134 = tpu.memref_slice %arg3[%dma_wait3A_133] : memref<50000xi32, #tpu.memory_space<hbm>> -> memref<128xi32, #tpu.memory_space<hbm>>
      %dma_wait3A_135 = arith.constant 0 : i32
      %dma_wait3A_136 = tpu.memref_slice %arg5[%dma_wait3A, %dma_wait3A_135] : memref<9x128xi32, #tpu.memory_space<vmem>> -> memref<1x128xi32, #tpu.memory_space<vmem>>
      %dma_wait3A_137 = tpu.memref_squeeze %dma_wait3A_136 : memref<1x128xi32, #tpu.memory_space<vmem>> -> memref<128xi32, #tpu.memory_space<vmem>>
      %dma_wait3A_138 = arith.constant 0 : i32
      %dma_wait3A_139 = tpu.memref_slice %arg3[%dma_wait3A_138] : memref<50000xi32, #tpu.memory_space<hbm>> -> memref<128xi32, #tpu.memory_space<hbm>>
      tpu.wait_dma2 semaphore(%arg15 : memref<!tpu.dma_semaphore, #tpu.memory_space<semaphore_mem>>) src(%dma_wait3A_139 : memref<128xi32, #tpu.memory_space<hbm>>) dst(%dma_wait3A_137 : memref<128xi32, #tpu.memory_space<vmem>>)
      %dma_wait3A_140 = arith.constant 4 : i32
      %dma_wait3A_141 = arith.constant 0 : i32
      %dma_wait3A_142 = arith.constant 0 : i32
      %dma_wait3A_143 = tpu.memref_slice %arg6[%dma_wait3A_140, %dma_wait3A_141, %dma_wait3A_142] : memref<5x128x128xf32, #tpu.memory_space<vmem>> -> memref<1x128x128xf32, #tpu.memory_space<vmem>>
      %dma_wait3A_144 = tpu.memref_squeeze %dma_wait3A_143 : memref<1x128x128xf32, #tpu.memory_space<vmem>> -> memref<128x128xf32, #tpu.memory_space<vmem>>
      %dma_wait3A_145 = arith.constant 0 : i32
      %dma_wait3A_146 = tpu.memref_slice %arg2[%dma_wait3A_145, %mul3A_0] : memref<50000x256xf32, #tpu.memory_space<hbm>> -> memref<128x128xf32, #tpu.memory_space<hbm>>
      %dma_wait3A_147 = arith.constant 0 : i32
      %dma_wait3A_148 = arith.constant 0 : i32
      %dma_wait3A_149 = tpu.memref_slice %arg6[%dma_wait3A_140, %dma_wait3A_147, %dma_wait3A_148] : memref<5x128x128xf32, #tpu.memory_space<vmem>> -> memref<1x128x128xf32, #tpu.memory_space<vmem>>
      %dma_wait3A_150 = tpu.memref_squeeze %dma_wait3A_149 : memref<1x128x128xf32, #tpu.memory_space<vmem>> -> memref<128x128xf32, #tpu.memory_space<vmem>>
      %dma_wait3A_151 = arith.constant 0 : i32
      %dma_wait3A_152 = tpu.memref_slice %arg2[%dma_wait3A_151, %mul3A_0] : memref<50000x256xf32, #tpu.memory_space<hbm>> -> memref<128x128xf32, #tpu.memory_space<hbm>>
      tpu.wait_dma2 semaphore(%arg15 : memref<!tpu.dma_semaphore, #tpu.memory_space<semaphore_mem>>) src(%dma_wait3A_152 : memref<128x128xf32, #tpu.memory_space<hbm>>) dst(%dma_wait3A_150 : memref<128x128xf32, #tpu.memory_space<vmem>>)
      %dma_start3A_153 = arith.constant 4 : i32
      %dma_start3A_154 = arith.constant 9 : i32
      %dma_start3A_155 = arith.constant 0 : i32
      %dma_start3A_156 = arith.constant 0 : i32
      %dma_start3A_157 = tpu.memref_slice %arg6[%dma_start3A_153, %dma_start3A_155, %dma_start3A_156] : memref<5x128x128xf32, #tpu.memory_space<vmem>> -> memref<1x128x128xf32, #tpu.memory_space<vmem>>
      %dma_start3A_158 = tpu.memref_squeeze %dma_start3A_157 : memref<1x128x128xf32, #tpu.memory_space<vmem>> -> memref<128x128xf32, #tpu.memory_space<vmem>>
      %dma_start3A_159 = arith.constant 0 : i32
      %dma_start3A_160 = tpu.memref_slice %arg5[%dma_start3A_154, %dma_start3A_159] : memref<9x128xi32, #tpu.memory_space<vmem>> -> memref<1x128xi32, #tpu.memory_space<vmem>>
      %dma_start3A_161 = tpu.memref_squeeze %dma_start3A_160 : memref<1x128xi32, #tpu.memory_space<vmem>> -> memref<128xi32, #tpu.memory_space<vmem>>
      %dma_start3A_162 = arith.constant 0 : i32
      %dma_start3A_163 = arith.constant 0 : i32
      %dma_start3A_164 = tpu.memref_slice %arg10[%dma_start3A_162, %dma_start3A_163] : memref<512x128xf32, #tpu.memory_space<vmem_shared>> -> memref<512x128xf32, #tpu.memory_space<vmem_shared>>
      tpu.enqueue_indirect_dma source(%dma_start3A_158 : memref<128x128xf32, #tpu.memory_space<vmem>>) target(%dma_start3A_164 : memref<512x128xf32, #tpu.memory_space<vmem_shared>>) offsets(%dma_start3A_161 : memref<128xi32, #tpu.memory_space<vmem>>) semaphore(%arg20 : memref<!tpu.dma_semaphore, #tpu.memory_space<semaphore_mem>>) {add = true}
    } else {
    }
    %gt3A_95 = arith.constant 5 : i32
    %gt3A_96 = arith.cmpi sgt, %select_n3A, %gt3A_95 : i32
    %convert_element_type3A_97 = arith.extui %gt3A_96 : i1 to i32
    %cond3A_98 = arith.constant 0 : i32
    %cond3A_99 = arith.cmpi ne, %convert_element_type3A_97, %cond3A_98 : i32
    scf.if %cond3A_99 {
      %dma_wait3A = arith.constant 0 : i32
      %dma_wait3A_130 = arith.constant 0 : i32
      %dma_wait3A_131 = arith.constant 0 : i32
      %dma_wait3A_132 = tpu.memref_slice %arg6[%dma_wait3A, %dma_wait3A_130, %dma_wait3A_131] : memref<5x128x128xf32, #tpu.memory_space<vmem>> -> memref<1x128x128xf32, #tpu.memory_space<vmem>>
      %dma_wait3A_133 = tpu.memref_squeeze %dma_wait3A_132 : memref<1x128x128xf32, #tpu.memory_space<vmem>> -> memref<128x128xf32, #tpu.memory_space<vmem>>
      %dma_wait3A_134 = arith.constant 0 : i32
      %dma_wait3A_135 = tpu.memref_slice %arg2[%dma_wait3A_134, %mul3A_0] : memref<50000x256xf32, #tpu.memory_space<hbm>> -> memref<128x128xf32, #tpu.memory_space<hbm>>
      %dma_wait3A_136 = arith.constant 0 : i32
      %dma_wait3A_137 = arith.constant 0 : i32
      %dma_wait3A_138 = tpu.memref_slice %arg6[%dma_wait3A, %dma_wait3A_136, %dma_wait3A_137] : memref<5x128x128xf32, #tpu.memory_space<vmem>> -> memref<1x128x128xf32, #tpu.memory_space<vmem>>
      %dma_wait3A_139 = tpu.memref_squeeze %dma_wait3A_138 : memref<1x128x128xf32, #tpu.memory_space<vmem>> -> memref<128x128xf32, #tpu.memory_space<vmem>>
      %dma_wait3A_140 = arith.constant 0 : i32
      %dma_wait3A_141 = tpu.memref_slice %arg2[%dma_wait3A_140, %mul3A_0] : memref<50000x256xf32, #tpu.memory_space<hbm>> -> memref<128x128xf32, #tpu.memory_space<hbm>>
      tpu.wait_dma2 semaphore(%arg16 : memref<!tpu.dma_semaphore, #tpu.memory_space<semaphore_mem>>) src(%dma_wait3A_141 : memref<128x128xf32, #tpu.memory_space<hbm>>) dst(%dma_wait3A_139 : memref<128x128xf32, #tpu.memory_space<vmem>>)
    } else {
    }
    %gt3A_100 = arith.constant 6 : i32
    %gt3A_101 = arith.cmpi sgt, %select_n3A, %gt3A_100 : i32
    %convert_element_type3A_102 = arith.extui %gt3A_101 : i1 to i32
    %cond3A_103 = arith.constant 0 : i32
    %cond3A_104 = arith.cmpi ne, %convert_element_type3A_102, %cond3A_103 : i32
    scf.if %cond3A_104 {
      %dma_wait3A = arith.constant 1 : i32
      %dma_wait3A_130 = arith.constant 0 : i32
      %dma_wait3A_131 = arith.constant 0 : i32
      %dma_wait3A_132 = tpu.memref_slice %arg6[%dma_wait3A, %dma_wait3A_130, %dma_wait3A_131] : memref<5x128x128xf32, #tpu.memory_space<vmem>> -> memref<1x128x128xf32, #tpu.memory_space<vmem>>
      %dma_wait3A_133 = tpu.memref_squeeze %dma_wait3A_132 : memref<1x128x128xf32, #tpu.memory_space<vmem>> -> memref<128x128xf32, #tpu.memory_space<vmem>>
      %dma_wait3A_134 = arith.constant 0 : i32
      %dma_wait3A_135 = tpu.memref_slice %arg2[%dma_wait3A_134, %mul3A_0] : memref<50000x256xf32, #tpu.memory_space<hbm>> -> memref<128x128xf32, #tpu.memory_space<hbm>>
      %dma_wait3A_136 = arith.constant 0 : i32
      %dma_wait3A_137 = arith.constant 0 : i32
      %dma_wait3A_138 = tpu.memref_slice %arg6[%dma_wait3A, %dma_wait3A_136, %dma_wait3A_137] : memref<5x128x128xf32, #tpu.memory_space<vmem>> -> memref<1x128x128xf32, #tpu.memory_space<vmem>>
      %dma_wait3A_139 = tpu.memref_squeeze %dma_wait3A_138 : memref<1x128x128xf32, #tpu.memory_space<vmem>> -> memref<128x128xf32, #tpu.memory_space<vmem>>
      %dma_wait3A_140 = arith.constant 0 : i32
      %dma_wait3A_141 = tpu.memref_slice %arg2[%dma_wait3A_140, %mul3A_0] : memref<50000x256xf32, #tpu.memory_space<hbm>> -> memref<128x128xf32, #tpu.memory_space<hbm>>
      tpu.wait_dma2 semaphore(%arg17 : memref<!tpu.dma_semaphore, #tpu.memory_space<semaphore_mem>>) src(%dma_wait3A_141 : memref<128x128xf32, #tpu.memory_space<hbm>>) dst(%dma_wait3A_139 : memref<128x128xf32, #tpu.memory_space<vmem>>)
    } else {
    }
    %gt3A_105 = arith.constant 7 : i32
    %gt3A_106 = arith.cmpi sgt, %select_n3A, %gt3A_105 : i32
    %convert_element_type3A_107 = arith.extui %gt3A_106 : i1 to i32
    %cond3A_108 = arith.constant 0 : i32
    %cond3A_109 = arith.cmpi ne, %convert_element_type3A_107, %cond3A_108 : i32
    scf.if %cond3A_109 {
      %dma_wait3A = arith.constant 2 : i32
      %dma_wait3A_130 = arith.constant 0 : i32
      %dma_wait3A_131 = arith.constant 0 : i32
      %dma_wait3A_132 = tpu.memref_slice %arg6[%dma_wait3A, %dma_wait3A_130, %dma_wait3A_131] : memref<5x128x128xf32, #tpu.memory_space<vmem>> -> memref<1x128x128xf32, #tpu.memory_space<vmem>>
      %dma_wait3A_133 = tpu.memref_squeeze %dma_wait3A_132 : memref<1x128x128xf32, #tpu.memory_space<vmem>> -> memref<128x128xf32, #tpu.memory_space<vmem>>
      %dma_wait3A_134 = arith.constant 0 : i32
      %dma_wait3A_135 = tpu.memref_slice %arg2[%dma_wait3A_134, %mul3A_0] : memref<50000x256xf32, #tpu.memory_space<hbm>> -> memref<128x128xf32, #tpu.memory_space<hbm>>
      %dma_wait3A_136 = arith.constant 0 : i32
      %dma_wait3A_137 = arith.constant 0 : i32
      %dma_wait3A_138 = tpu.memref_slice %arg6[%dma_wait3A, %dma_wait3A_136, %dma_wait3A_137] : memref<5x128x128xf32, #tpu.memory_space<vmem>> -> memref<1x128x128xf32, #tpu.memory_space<vmem>>
      %dma_wait3A_139 = tpu.memref_squeeze %dma_wait3A_138 : memref<1x128x128xf32, #tpu.memory_space<vmem>> -> memref<128x128xf32, #tpu.memory_space<vmem>>
      %dma_wait3A_140 = arith.constant 0 : i32
      %dma_wait3A_141 = tpu.memref_slice %arg2[%dma_wait3A_140, %mul3A_0] : memref<50000x256xf32, #tpu.memory_space<hbm>> -> memref<128x128xf32, #tpu.memory_space<hbm>>
      tpu.wait_dma2 semaphore(%arg18 : memref<!tpu.dma_semaphore, #tpu.memory_space<semaphore_mem>>) src(%dma_wait3A_141 : memref<128x128xf32, #tpu.memory_space<hbm>>) dst(%dma_wait3A_139 : memref<128x128xf32, #tpu.memory_space<vmem>>)
    } else {
    }
    %gt3A_110 = arith.constant 8 : i32
    %gt3A_111 = arith.cmpi sgt, %select_n3A, %gt3A_110 : i32
    %convert_element_type3A_112 = arith.extui %gt3A_111 : i1 to i32
    %cond3A_113 = arith.constant 0 : i32
    %cond3A_114 = arith.cmpi ne, %convert_element_type3A_112, %cond3A_113 : i32
    scf.if %cond3A_114 {
      %dma_wait3A = arith.constant 3 : i32
      %dma_wait3A_130 = arith.constant 0 : i32
      %dma_wait3A_131 = arith.constant 0 : i32
      %dma_wait3A_132 = tpu.memref_slice %arg6[%dma_wait3A, %dma_wait3A_130, %dma_wait3A_131] : memref<5x128x128xf32, #tpu.memory_space<vmem>> -> memref<1x128x128xf32, #tpu.memory_space<vmem>>
      %dma_wait3A_133 = tpu.memref_squeeze %dma_wait3A_132 : memref<1x128x128xf32, #tpu.memory_space<vmem>> -> memref<128x128xf32, #tpu.memory_space<vmem>>
      %dma_wait3A_134 = arith.constant 0 : i32
      %dma_wait3A_135 = tpu.memref_slice %arg2[%dma_wait3A_134, %mul3A_0] : memref<50000x256xf32, #tpu.memory_space<hbm>> -> memref<128x128xf32, #tpu.memory_space<hbm>>
      %dma_wait3A_136 = arith.constant 0 : i32
      %dma_wait3A_137 = arith.constant 0 : i32
      %dma_wait3A_138 = tpu.memref_slice %arg6[%dma_wait3A, %dma_wait3A_136, %dma_wait3A_137] : memref<5x128x128xf32, #tpu.memory_space<vmem>> -> memref<1x128x128xf32, #tpu.memory_space<vmem>>
      %dma_wait3A_139 = tpu.memref_squeeze %dma_wait3A_138 : memref<1x128x128xf32, #tpu.memory_space<vmem>> -> memref<128x128xf32, #tpu.memory_space<vmem>>
      %dma_wait3A_140 = arith.constant 0 : i32
      %dma_wait3A_141 = tpu.memref_slice %arg2[%dma_wait3A_140, %mul3A_0] : memref<50000x256xf32, #tpu.memory_space<hbm>> -> memref<128x128xf32, #tpu.memory_space<hbm>>
      tpu.wait_dma2 semaphore(%arg19 : memref<!tpu.dma_semaphore, #tpu.memory_space<semaphore_mem>>) src(%dma_wait3A_141 : memref<128x128xf32, #tpu.memory_space<hbm>>) dst(%dma_wait3A_139 : memref<128x128xf32, #tpu.memory_space<vmem>>)
    } else {
    }
    %gt3A_115 = arith.constant 9 : i32
    %gt3A_116 = arith.cmpi sgt, %select_n3A, %gt3A_115 : i32
    %convert_element_type3A_117 = arith.extui %gt3A_116 : i1 to i32
    %cond3A_118 = arith.constant 0 : i32
    %cond3A_119 = arith.cmpi ne, %convert_element_type3A_117, %cond3A_118 : i32
    scf.if %cond3A_119 {
      %dma_wait3A = arith.constant 4 : i32
      %dma_wait3A_130 = arith.constant 0 : i32
      %dma_wait3A_131 = arith.constant 0 : i32
      %dma_wait3A_132 = tpu.memref_slice %arg6[%dma_wait3A, %dma_wait3A_130, %dma_wait3A_131] : memref<5x128x128xf32, #tpu.memory_space<vmem>> -> memref<1x128x128xf32, #tpu.memory_space<vmem>>
      %dma_wait3A_133 = tpu.memref_squeeze %dma_wait3A_132 : memref<1x128x128xf32, #tpu.memory_space<vmem>> -> memref<128x128xf32, #tpu.memory_space<vmem>>
      %dma_wait3A_134 = arith.constant 0 : i32
      %dma_wait3A_135 = tpu.memref_slice %arg2[%dma_wait3A_134, %mul3A_0] : memref<50000x256xf32, #tpu.memory_space<hbm>> -> memref<128x128xf32, #tpu.memory_space<hbm>>
      %dma_wait3A_136 = arith.constant 0 : i32
      %dma_wait3A_137 = arith.constant 0 : i32
      %dma_wait3A_138 = tpu.memref_slice %arg6[%dma_wait3A, %dma_wait3A_136, %dma_wait3A_137] : memref<5x128x128xf32, #tpu.memory_space<vmem>> -> memref<1x128x128xf32, #tpu.memory_space<vmem>>
      %dma_wait3A_139 = tpu.memref_squeeze %dma_wait3A_138 : memref<1x128x128xf32, #tpu.memory_space<vmem>> -> memref<128x128xf32, #tpu.memory_space<vmem>>
      %dma_wait3A_140 = arith.constant 0 : i32
      %dma_wait3A_141 = tpu.memref_slice %arg2[%dma_wait3A_140, %mul3A_0] : memref<50000x256xf32, #tpu.memory_space<hbm>> -> memref<128x128xf32, #tpu.memory_space<hbm>>
      tpu.wait_dma2 semaphore(%arg20 : memref<!tpu.dma_semaphore, #tpu.memory_space<semaphore_mem>>) src(%dma_wait3A_141 : memref<128x128xf32, #tpu.memory_space<hbm>>) dst(%dma_wait3A_139 : memref<128x128xf32, #tpu.memory_space<vmem>>)
    } else {
    }
    %eq3A_120 = arith.constant 15 : i32
    %eq3A_121 = arith.cmpi eq, %arg1, %eq3A_120 : i32
    %convert_element_type3A_122 = arith.extui %eq3A_121 : i1 to i32
    %cond3A_123 = arith.constant 0 : i32
    %cond3A_124 = arith.cmpi ne, %convert_element_type3A_122, %cond3A_123 : i32
    scf.if %cond3A_124 {
      %dma_wait3A = arith.constant 0 : i32
      %dma_wait3A_130 = arith.constant 0 : i32
      %dma_wait3A_131 = tpu.memref_slice %arg7[%dma_wait3A, %dma_wait3A_130] : memref<1x80xi32, #tpu.memory_space<vmem>> -> memref<1x80xi32, #tpu.memory_space<vmem>>
      %dma_wait3A_132 = tpu.memref_squeeze %dma_wait3A_131 : memref<1x80xi32, #tpu.memory_space<vmem>> -> memref<80xi32, #tpu.memory_space<vmem>>
      %dma_wait3A_133 = arith.constant 49920 : i32
      %dma_wait3A_134 = tpu.memref_slice %arg3[%dma_wait3A_133] : memref<50000xi32, #tpu.memory_space<hbm>> -> memref<80xi32, #tpu.memory_space<hbm>>
      %dma_wait3A_135 = arith.constant 0 : i32
      %dma_wait3A_136 = tpu.memref_slice %arg7[%dma_wait3A, %dma_wait3A_135] : memref<1x80xi32, #tpu.memory_space<vmem>> -> memref<1x80xi32, #tpu.memory_space<vmem>>
      %dma_wait3A_137 = tpu.memref_squeeze %dma_wait3A_136 : memref<1x80xi32, #tpu.memory_space<vmem>> -> memref<80xi32, #tpu.memory_space<vmem>>
      %dma_wait3A_138 = arith.constant 49920 : i32
      %dma_wait3A_139 = tpu.memref_slice %arg3[%dma_wait3A_138] : memref<50000xi32, #tpu.memory_space<hbm>> -> memref<80xi32, #tpu.memory_space<hbm>>
      tpu.wait_dma2 semaphore(%arg21 : memref<!tpu.dma_semaphore, #tpu.memory_space<semaphore_mem>>) src(%dma_wait3A_139 : memref<80xi32, #tpu.memory_space<hbm>>) dst(%dma_wait3A_137 : memref<80xi32, #tpu.memory_space<vmem>>)
      %dma_wait3A_140 = arith.constant 49920 : i32
      %dma_wait3A_141 = tpu.memref_slice %arg2[%dma_wait3A_140, %mul3A_0] : memref<50000x256xf32, #tpu.memory_space<hbm>> -> memref<80x128xf32, #tpu.memory_space<hbm>>
      %dma_wait3A_142 = arith.constant 49920 : i32
      %dma_wait3A_143 = tpu.memref_slice %arg2[%dma_wait3A_142, %mul3A_0] : memref<50000x256xf32, #tpu.memory_space<hbm>> -> memref<80x128xf32, #tpu.memory_space<hbm>>
      tpu.wait_dma2 semaphore(%arg21 : memref<!tpu.dma_semaphore, #tpu.memory_space<semaphore_mem>>) src(%dma_wait3A_143 : memref<80x128xf32, #tpu.memory_space<hbm>>) dst(%arg8 : memref<80x128xf32, #tpu.memory_space<vmem>>)
      %run_scoped3A = arith.constant 0 : i32
      "tpu.region"() ({
        %run_scoped3A_144 = tpu.sem_alloc : memref<!tpu.dma_semaphore, #tpu.memory_space<semaphore_mem>>
        %dma_start3A_145 = arith.constant 0 : i32
        %dma_start3A_146 = tpu.memref_slice %arg7[%run_scoped3A, %dma_start3A_145] : memref<1x80xi32, #tpu.memory_space<vmem>> -> memref<1x80xi32, #tpu.memory_space<vmem>>
        %dma_start3A_147 = tpu.memref_squeeze %dma_start3A_146 : memref<1x80xi32, #tpu.memory_space<vmem>> -> memref<80xi32, #tpu.memory_space<vmem>>
        %dma_start3A_148 = arith.constant 0 : i32
        %dma_start3A_149 = arith.constant 0 : i32
        %dma_start3A_150 = tpu.memref_slice %arg10[%dma_start3A_148, %dma_start3A_149] : memref<512x128xf32, #tpu.memory_space<vmem_shared>> -> memref<512x128xf32, #tpu.memory_space<vmem_shared>>
        tpu.enqueue_indirect_dma source(%arg8 : memref<80x128xf32, #tpu.memory_space<vmem>>) target(%dma_start3A_150 : memref<512x128xf32, #tpu.memory_space<vmem_shared>>) offsets(%dma_start3A_147 : memref<80xi32, #tpu.memory_space<vmem>>) semaphore(%run_scoped3A_144 : memref<!tpu.dma_semaphore, #tpu.memory_space<semaphore_mem>>) {add = true}
        %dma_wait3A_151 = arith.constant 0 : i32
        %dma_wait3A_152 = tpu.memref_slice %arg7[%run_scoped3A, %dma_wait3A_151] : memref<1x80xi32, #tpu.memory_space<vmem>> -> memref<1x80xi32, #tpu.memory_space<vmem>>
        %dma_wait3A_153 = tpu.memref_squeeze %dma_wait3A_152 : memref<1x80xi32, #tpu.memory_space<vmem>> -> memref<80xi32, #tpu.memory_space<vmem>>
        %dma_wait3A_154 = arith.constant 0 : i32
        %dma_wait3A_155 = arith.constant 0 : i32
        %dma_wait3A_156 = tpu.memref_slice %arg10[%dma_wait3A_154, %dma_wait3A_155] : memref<512x128xf32, #tpu.memory_space<vmem_shared>> -> memref<512x128xf32, #tpu.memory_space<vmem_shared>>
        tpu.wait_indirect_dma semaphore(%run_scoped3A_144 : memref<!tpu.dma_semaphore, #tpu.memory_space<semaphore_mem>>) src(%arg8 : memref<80x128xf32, #tpu.memory_space<vmem>>) dst(%dma_wait3A_156 : memref<512x128xf32, #tpu.memory_space<vmem_shared>>)
        tpu.yield
      }) : () -> ()
    } else {
    }
    %barrier3A_125 = arith.constant 0 : index
    tpu.barrier barrier_id(%barrier3A_125)
    %mul3A_126 = arith.constant 32 : i32
    %mul3A_127 = arith.muli %arg1, %mul3A_126 : i32
    %mul3A_128 = arith.constant 32 : i32
    %mul3A_129 = arith.muli %arg1, %mul3A_128 : i32
    "tpu.region"() ({
      %run_scoped3A = tpu.sem_alloc : memref<!tpu.dma_semaphore, #tpu.memory_space<semaphore_mem>>
      %dma_start3A_130 = tpu.memref_slice %arg4[%mul3A_129, %mul3A_0] : memref<512x256xf32, #tpu.memory_space<hbm>> -> memref<32x128xf32, #tpu.memory_space<hbm>>
      %dma_start3A_131 = arith.constant 0 : i32
      %dma_start3A_132 = tpu.memref_slice %arg10[%mul3A_127, %dma_start3A_131] : memref<512x128xf32, #tpu.memory_space<vmem_shared>> -> memref<32x128xf32, #tpu.memory_space<vmem_shared>>
      tpu.enqueue_dma source(%dma_start3A_132 : memref<32x128xf32, #tpu.memory_space<vmem_shared>>) target(%dma_start3A_130 : memref<32x128xf32, #tpu.memory_space<hbm>>) target_semaphore(%run_scoped3A : memref<!tpu.dma_semaphore, #tpu.memory_space<semaphore_mem>>)
      %dma_wait3A = tpu.memref_slice %arg4[%mul3A_129, %mul3A_0] : memref<512x256xf32, #tpu.memory_space<hbm>> -> memref<32x128xf32, #tpu.memory_space<hbm>>
      %dma_wait3A_133 = arith.constant 0 : i32
      %dma_wait3A_134 = tpu.memref_slice %arg10[%mul3A_127, %dma_wait3A_133] : memref<512x128xf32, #tpu.memory_space<vmem_shared>> -> memref<32x128xf32, #tpu.memory_space<vmem_shared>>
      tpu.wait_dma2 semaphore(%run_scoped3A : memref<!tpu.dma_semaphore, #tpu.memory_space<semaphore_mem>>) src(%dma_wait3A_134 : memref<32x128xf32, #tpu.memory_space<vmem_shared>>) dst(%dma_wait3A : memref<32x128xf32, #tpu.memory_space<hbm>>)
      tpu.yield
    }) : () -> ()
    return
  }
}

module attributes {stable_mosaic.version = 14 : i64} {
  func.func @_tc_body(%arg0: i32, %arg1: memref<4096xi32, #tpu.memory_space<vmem>>, %arg2: memref<4096x256xf32, #tpu.memory_space<vmem>>, %arg3: memref<512x256xf32, #tpu.memory_space<vmem>>) attributes {dimension_semantics = [#tpu.dimension_semantics<arbitrary>], iteration_bounds = array<i64: 8>, scalar_prefetch = 0 : i64, scratch_operands = 0 : i64, tpu.core_type = #tpu.core_type<tc>, window_params = [{transform_indices = @transform_0, window_bounds = array<i64: 4096>}, {transform_indices = @transform_1, window_bounds = array<i64: 4096, 256>}, {pipeline_mode = #tpu.pipeline_mode<synchronous>, transform_indices = @transform_2, window_bounds = array<i64: 512, 256>}]} {
    %get3A = arith.constant 0 : index
    %get3A_0 = vector.load %arg1[%get3A] : memref<4096xi32, #tpu.memory_space<vmem>>, vector<4096xi32>
    %get3A_1 = arith.constant 0 : index
    %get3A_2 = arith.constant 0 : index
    %get3A_3 = vector.load %arg2[%get3A_1, %get3A_2] : memref<4096x256xf32, #tpu.memory_space<vmem>>, vector<4096x256xf32>
    %convert_element_type3A = arith.truncf %get3A_3 : vector<4096x256xf32> to vector<4096x256xbf16>
    %get3A_4 = arith.constant 0 : index
    %get3A_5 = vector.load %arg1[%get3A_4] : memref<4096xi32, #tpu.memory_space<vmem>>, vector<1xi32>
    %get3A_6 = vector.extract %get3A_5[0] : i32 from vector<1xi32>
    %min3A = arith.constant 384 : i32
    %min3A_7 = arith.minsi %get3A_6, %min3A : i32
    %jit3A = arith.constant 8 : i32
    %div3A = arith.divsi %min3A_7, %jit3A : i32
    %sign3A = arith.constant 0 : i32
    %sign3A_8 = arith.cmpi sgt, %min3A_7, %sign3A : i32
    %sign3A_9 = arith.extui %sign3A_8 : i1 to i32
    %sign3A_10 = arith.constant 0 : i32
    %sign3A_11 = arith.cmpi slt, %min3A_7, %sign3A_10 : i32
    %sign3A_12 = arith.extui %sign3A_11 : i1 to i32
    %sign3A_13 = arith.subi %sign3A_9, %sign3A_12 : i32
    %sign3A_14 = arith.constant 0 : i32
    %sign3A_15 = arith.cmpi sgt, %jit3A, %sign3A_14 : i32
    %sign3A_16 = arith.extui %sign3A_15 : i1 to i32
    %sign3A_17 = arith.constant 0 : i32
    %sign3A_18 = arith.cmpi slt, %jit3A, %sign3A_17 : i32
    %sign3A_19 = arith.extui %sign3A_18 : i1 to i32
    %sign3A_20 = arith.subi %sign3A_16, %sign3A_19 : i32
    %ne3A = arith.cmpi ne, %sign3A_13, %sign3A_20 : i32
    %rem3A = arith.remsi %min3A_7, %jit3A : i32
    %ne3A_21 = arith.constant 0 : i32
    %ne3A_22 = arith.cmpi ne, %rem3A, %ne3A_21 : i32
    %and3A = arith.andi %ne3A, %ne3A_22 : i1
    %sub3A = arith.constant 1 : i32
    %sub3A_23 = arith.subi %div3A, %sub3A : i32
    %select_n3A = arith.select %and3A, %sub3A_23, %div3A : i32
    %mul3A = arith.constant 8 : i32
    %mul3A_24 = arith.muli %select_n3A, %mul3A : i32
    %get3A_25 = arith.constant 4095 : index
    %get3A_26 = vector.load %arg1[%get3A_25] : memref<4096xi32, #tpu.memory_space<vmem>>, vector<1xi32>
    %get3A_27 = vector.extract %get3A_26[0] : i32 from vector<1xi32>
    %sub3A_28 = arith.subi %get3A_27, %mul3A_24 : i32
    %lt3A = arith.constant 128 : i32
    %lt3A_29 = arith.cmpi slt, %sub3A_28, %lt3A : i32
    %eq3A = arith.constant 0 : i32
    %eq3A_30 = arith.cmpi eq, %arg0, %eq3A : i32
    %convert_element_type3A_31 = arith.extui %eq3A_30 : i1 to i32
    %cond3A = arith.constant 0 : i32
    %cond3A_32 = arith.cmpi ne, %convert_element_type3A_31, %cond3A : i32
    scf.if %cond3A_32 {
      %broadcast_in_dim3A = arith.constant 0.000000e+00 : f32
      %broadcast_in_dim3A_40 = vector.broadcast %broadcast_in_dim3A : f32 to vector<512x256xf32>
      %swap3A = arith.constant 0 : index
      %swap3A_41 = arith.constant 0 : index
      %swap3A_42 = vector.load %arg3[%swap3A, %swap3A_41] : memref<512x256xf32, #tpu.memory_space<vmem>>, vector<512x256xf32>
      tpu.vector_store %arg3[%swap3A, %swap3A_41], %broadcast_in_dim3A_40 {strides = array<i32>} : memref<512x256xf32, #tpu.memory_space<vmem>>, vector<512x256xf32>,
    } else {
    }
    %convert_element_type3A_33 = arith.extui %lt3A_29 : i1 to i32
    %cond3A_34 = arith.constant 0 : i32
    %cond3A_35 = arith.cmpi ne, %convert_element_type3A_33, %cond3A_34 : i32
    scf.if %cond3A_35 {
      %iota3A = tpu.iota {dimensions = array<i32: 0>} : vector<128x4096xi32>
      %add3A = vector.broadcast %mul3A_24 : i32 to vector<128x4096xi32>
      %add3A_40 = arith.addi %iota3A, %add3A : vector<128x4096xi32>
      %broadcast_in_dim3A = vector.shape_cast %get3A_0 : vector<4096xi32> to vector<1x4096xi32>
      %eq3A_41 = vector.broadcast %broadcast_in_dim3A : vector<1x4096xi32> to vector<128x4096xi32>
      %eq3A_42 = arith.cmpi eq, %add3A_40, %eq3A_41 : vector<128x4096xi32>
      %convert_element_type3A_43 = arith.extui %eq3A_42 : vector<128x4096xi1> to vector<128x4096xi32>
      %convert_element_type3A_44 = arith.sitofp %convert_element_type3A_43 : vector<128x4096xi32> to vector<128x4096xf32>
      %convert_element_type3A_45 = arith.truncf %convert_element_type3A_44 : vector<128x4096xf32> to vector<128x4096xbf16>
      %dot_general3A = arith.constant dense<0.000000e+00> : vector<128x256xf32>
      %dot_general3A_46 = tpu.matmul %convert_element_type3A_45, %convert_element_type3A, %dot_general3A {dimension_numbers = #tpu.dot_dimension_numbers<[1], [0], [0], [1], [0, 0, 1, 1], [], []>, transpose_lhs_hint = false} : vector<128x4096xbf16>, vector<4096x256xbf16>, vector<128x256xf32> -> vector<128x256xf32>
      %get3A_47 = arith.index_cast %mul3A_24 : i32 to index
      %get3A_48 = arith.constant 0 : index
      %get3A_49 = vector.load %arg3[%get3A_47, %get3A_48] : memref<512x256xf32, #tpu.memory_space<vmem>>, vector<128x256xf32>
      %add3A_50 = arith.addf %get3A_49, %dot_general3A_46 : vector<128x256xf32>
      %swap3A = arith.index_cast %mul3A_24 : i32 to index
      %swap3A_51 = arith.constant 0 : index
      %swap3A_52 = vector.load %arg3[%swap3A, %swap3A_51] : memref<512x256xf32, #tpu.memory_space<vmem>>, vector<128x256xf32>
      tpu.vector_store %arg3[%swap3A, %swap3A_51], %add3A_50 {strides = array<i32>} : memref<512x256xf32, #tpu.memory_space<vmem>>, vector<128x256xf32>,
    } else {
    }
    %not3A = arith.constant true
    %not3A_36 = arith.xori %lt3A_29, %not3A : i1
    %convert_element_type3A_37 = arith.extui %not3A_36 : i1 to i32
    %cond3A_38 = arith.constant 0 : i32
    %cond3A_39 = arith.cmpi ne, %convert_element_type3A_37, %cond3A_38 : i32
    scf.if %cond3A_39 {
      %iota3A = tpu.iota {dimensions = array<i32: 0>} : vector<512x4096xi32>
      %broadcast_in_dim3A = vector.shape_cast %get3A_0 : vector<4096xi32> to vector<1x4096xi32>
      %eq3A_40 = vector.broadcast %broadcast_in_dim3A : vector<1x4096xi32> to vector<512x4096xi32>
      %eq3A_41 = arith.cmpi eq, %iota3A, %eq3A_40 : vector<512x4096xi32>
      %convert_element_type3A_42 = arith.extui %eq3A_41 : vector<512x4096xi1> to vector<512x4096xi32>
      %convert_element_type3A_43 = arith.sitofp %convert_element_type3A_42 : vector<512x4096xi32> to vector<512x4096xf32>
      %convert_element_type3A_44 = arith.truncf %convert_element_type3A_43 : vector<512x4096xf32> to vector<512x4096xbf16>
      %get3A_45 = arith.constant 0 : index
      %get3A_46 = arith.constant 0 : index
      %get3A_47 = vector.load %arg3[%get3A_45, %get3A_46] : memref<512x256xf32, #tpu.memory_space<vmem>>, vector<512x256xf32>
      %dot_general3A = arith.constant dense<0.000000e+00> : vector<512x256xf32>
      %dot_general3A_48 = tpu.matmul %convert_element_type3A_44, %convert_element_type3A, %dot_general3A {dimension_numbers = #tpu.dot_dimension_numbers<[1], [0], [0], [1], [0, 0, 1, 1], [], []>, transpose_lhs_hint = false} : vector<512x4096xbf16>, vector<4096x256xbf16>, vector<512x256xf32> -> vector<512x256xf32>
      %add3A = arith.addf %get3A_47, %dot_general3A_48 : vector<512x256xf32>
      %swap3A = arith.constant 0 : index
      %swap3A_49 = arith.constant 0 : index
      %swap3A_50 = vector.load %arg3[%swap3A, %swap3A_49] : memref<512x256xf32, #tpu.memory_space<vmem>>, vector<512x256xf32>
      tpu.vector_store %arg3[%swap3A, %swap3A_49], %add3A {strides = array<i32>} : memref<512x256xf32, #tpu.memory_space<vmem>>, vector<512x256xf32>,
    } else {
    }
    return
  }
  func.func @transform_0(%arg0: i32) -> i32 {
    %c0_i32 = arith.constant 0 : i32
    return %arg0 : i32
  }
  func.func @transform_1(%arg0: i32) -> (i32, i32) {
    %c0_i32 = arith.constant 0 : i32
    %c0_i32_0 = arith.constant 0 : i32
    return %arg0, %c0_i32 : i32, i32
  }
  func.func @transform_2(%arg0: i32) -> (i32, i32) {
    %c0_i32 = arith.constant 0 : i32
    %c0_i32_0 = arith.constant 0 : i32
    %c0_i32_1 = arith.constant 0 : i32
    return %c0_i32, %c0_i32_0 : i32, i32
  }
}

module attributes {stable_mosaic.version = 14 : i64} {
  func.func @_add_body(%arg0: memref<512x256xf32, #tpu.memory_space<vmem>>, %arg1: memref<512x256xf32, #tpu.memory_space<vmem>>, %arg2: memref<512x256xf32, #tpu.memory_space<vmem>>) attributes {dimension_semantics = [], scalar_prefetch = 0 : i64, scratch_operands = 0 : i64, tpu.core_type = #tpu.core_type<tc>} {
    %get3A = arith.constant 0 : index
    %get3A_0 = arith.constant 0 : index
    %get3A_1 = vector.load %arg0[%get3A, %get3A_0] : memref<512x256xf32, #tpu.memory_space<vmem>>, vector<512x256xf32>
    %get3A_2 = arith.constant 0 : index
    %get3A_3 = arith.constant 0 : index
    %get3A_4 = vector.load %arg1[%get3A_2, %get3A_3] : memref<512x256xf32, #tpu.memory_space<vmem>>, vector<512x256xf32>
    %add3A = arith.addf %get3A_1, %get3A_4 : vector<512x256xf32>
    %swap3A = arith.constant 0 : index
    %swap3A_5 = arith.constant 0 : index
    %swap3A_6 = vector.load %arg2[%swap3A, %swap3A_5] : memref<512x256xf32, #tpu.memory_space<vmem>>, vector<512x256xf32>
    tpu.vector_store %arg2[%swap3A, %swap3A_5], %add3A {strides = array<i32>} : memref<512x256xf32, #tpu.memory_space<vmem>>, vector<512x256xf32>,
    return
  }
}

</mosaic_0001>

<sc_bundles>
// kernel: kernel.5.cloned.1.call-start
scs
__scs_entry_jumppad:
0x0: {  	(pc) =	sbr.rel $0x88, $3  }
0x1: {  	(tag) =	ssettag $0x0;
	lr =	simm.s32 $0x1  }
0x2: {  	[smem:$0x3F9F] =	sst lr;
	_ =	strace $0xD0000000  }
0x3: {  	_ = 	snop  }
0x4: {  	_ = 	snop  }
0x5: {  	_ = 	snop  }
0x6: {  	_ = 	snop  }
0x7: {  	_ = 	snop  }
__scs_overlays_trampoline_lowered:
0x8: {  	[smem:$0x3FAE] =	sst s0  }
0x9: {  	[smem:$0x3FAF] =	sst s1  }
0xa: {  	[smem:$0x3FB0] =	sst s2  }
0xb: {  	[smem:$0x3FB1] =	sst s3  }
0xc: {  	[smem:$0x3FB2] =	sst s4  }
0xd: {  	[smem:$0x3FB3] =	sst s5  }
0xe: {  	[smem:$0x3FB4] =	sst s6  }
0xf: {  	[smem:$0x3FB5] =	sst s7  }
0x10: {  	[smem:$0x3FB6] =	sst s8  }
0x11: {  	[smem:$0x3FB7] =	sst s9;
	s0 =	simm.s32 @!p0 $0x0  }
0x12: {  	s1 =	sld [smem:$0x3F9D];
	s0 =	simm.s32 @p0 $0x1  }
0x13: {  	[smem:$0x3FB8] =	sst s0;
	s0 =	simm.s32 @!p1 $0x0  }
0x14: {  	s2 =	sld [smem:$0x3F9C];
	s0 =	simm.s32 @p1 $0x1  }
0x15: {  	[smem:$0x3FB9] =	sst s0;
	s0 =	simm.s32 @!p2 $0x0  }
0x16: {  	s3 =	sld [smem:$0x3FDB];
	s0 =	simm.s32 @p2 $0x1  }
0x17: {  	s4 =	simm.s32 $0x1BF5;
	[smem:$0x3FBB] =	sst s0  }
0x18: {  	s0 =	sld [smem:$0x3F9E];
	_ =	swait.ge [sflag:s4], $0x0  }
0x19: {  	s7 =	sld [smem:$0x3F9F]  }
0x1a: {  	s8 =	sadd.s32 $0xFFFFE003, lr  }
0x1b: {  	s9 =	sadd.s32 $0xFFFFFEF7, lr;
	s5 =	simm.s32 $0xFFFFFFFF;
	p2 =	slt.u32 s8, $0xFFFFF086  }
0x1c: {  	p1 =	slt.u32 s9, $0xF7A;
	s5 =	simm.s32 @!p2 $0x0  }
0x1d: {  	s5 =	simm.s32 @p1 $0x1;
	p0 =	seq.s32 s7, s2  }
0x1e: {  	s7 =	smul.u32 @!p0 $0xF7A, s2;
	p2 =	seq.s32 @!p0 s5, $0x0  }
0x1f: {  	s9 =	smul.u32 $0xF7A, s1;
	s8 =	simm.s32 @!p0 $0x1BF5;
	p2 =	por !p2, p0  }
0x20: {  	[sflag:s8] =	ssyncset.s32 @!p0 $0xFFFFF086;
	s6 =	sadd.s32 @!p0 s3, s7;
	s7 =	simm.s32 @!p0 $0x108  }
0x21: {  	s3 =	sadd.s32 s3, s9;
	s6 =	sadd.s32 @!p0 $0x88, s6;
	s7 =	simm.s32 @p2 $0x1082  }
0x22: {  	[simem:s7], [sflag:s8] =	dma.local @!p0 [hbm:s6], $0xF7A  }
0x23: {  	s9 =	sor.u32 $0xD0000000, s2;
	s6 =	simm.s32 $0x108;
	_ =	swait.ge @!p0 [sflag:s8], $0x0  }
0x24: {  	s3 =	sadd.s32 $0x88, s3;
	s6 =	simm.s32 @!p1 $0x1082;
	[sflag:s4] =	ssyncset.s32 $0xFFFFF086  }
0x25: {  	[simem:s6], [sflag:s4] =	dma.local [hbm:s3], $0xF7A  }
0x26: {  	[smem:$0x3F9F] =	sst s1;
	(tag) =	ssettag s2;
	_ =	strace s9  }
0x27: {  	s1 =	sld [smem:$0x3FAF]  }
0x28: {  	s2 =	sld [smem:$0x3FB0]  }
0x29: {  	s4 =	sld [smem:$0x3FB2]  }
0x2a: {  	p0 =	seq.s32 s5, $0x0;
	s5 =	sld [smem:$0x3FB3]  }
0x2b: {  	s6 =	sld [smem:$0x3FB4]  }
0x2c: {  	s7 =	sld [smem:$0x3FB5]  }
0x2d: {  	s3 =	simm.s32 $0x108;
	s8 =	sld [smem:$0x3FB6]  }
0x2e: {  	s3 =	simm.s32 @!p0 $0x1082;
	s9 =	sld [smem:$0x3FB7]  }
0x2f: {  	lr =	sadd.s32 s0, s3;
	s0 =	sld [smem:$0x3FAE]  }
0x30: {  	s3 =	sld [smem:$0x3FB1]  }
0x31: {  	[smem:$0x3FBA] =	sst s10  }
0x32: {  	s10 =	sld [smem:$0x3FB8];
	_ =	sdelay $0x3  }
0x33: {  	p0 =	seq.s32 s10, $0x1;
	s10 =	sld [smem:$0x3FBA];
	_ =	sdelay $0x3  }
0x34: {  	[smem:$0x3FBA] =	sst s10  }
0x35: {  	s10 =	sld [smem:$0x3FB9];
	_ =	sdelay $0x3  }
0x36: {  	p1 =	seq.s32 s10, $0x1;
	s10 =	sld [smem:$0x3FBA];
	_ =	sdelay $0x3  }
0x37: {  	[smem:$0x3FBA] =	sst s10  }
0x38: {  	s10 =	sld [smem:$0x3FBB]  }
0x39: {  	_ = 	snop;
	(pc) =	sbr.ind lr, $3  }
0x3a: {  	_ = 	snop  }
0x3b: {  	_ = 	snop  }
0x3c: {  	p2 =	seq.s32 s10, $0x1;
	s10 =	sld [smem:$0x3FBA]  }
0x3d: {  	_ =	shalt  }
0x3e: {  	_ =	shalt  }
0x3f: {  	_ =	shalt  }
0x40: {  	_ =	shalt  }
0x41: {  	_ =	shalt  }
0x42: {  	_ =	shalt  }
0x43: {  	_ =	shalt  }
0x44: {  	_ =	shalt  }
0x45: {  	_ =	shalt  }
0x46: {  	_ =	shalt  }
0x47: {  	_ =	shalt  }
0x48: {  	_ =	shalt  }
0x49: {  	_ =	shalt  }
0x4a: {  	_ =	shalt  }
0x4b: {  	_ =	shalt  }
0x4c: {  	_ =	shalt  }
0x4d: {  	_ =	shalt  }
0x4e: {  	_ =	shalt  }
0x4f: {  	_ =	shalt  }
0x50: {  	_ =	shalt  }
0x51: {  	_ =	shalt  }
0x52: {  	_ =	shalt  }
0x53: {  	_ =	shalt  }
0x54: {  	_ =	shalt  }
0x55: {  	_ =	shalt  }
0x56: {  	_ =	shalt  }
0x57: {  	_ =	shalt  }
0x58: {  	_ =	shalt  }
0x59: {  	_ =	shalt  }
0x5a: {  	_ =	shalt  }
0x5b: {  	_ =	shalt  }
0x5c: {  	_ =	shalt  }
0x5d: {  	_ =	shalt  }
0x5e: {  	_ =	shalt  }
0x5f: {  	_ =	shalt  }
0x60: {  	_ =	shalt  }
0x61: {  	_ =	shalt  }
0x62: {  	_ =	shalt  }
0x63: {  	_ =	shalt  }
0x64: {  	_ =	shalt  }
0x65: {  	_ =	shalt  }
0x66: {  	_ =	shalt  }
0x67: {  	_ =	shalt  }
0x68: {  	_ =	shalt  }
0x69: {  	_ =	shalt  }
0x6a: {  	_ =	shalt  }
0x6b: {  	_ =	shalt  }
0x6c: {  	_ =	shalt  }
0x6d: {  	_ =	shalt  }
0x6e: {  	_ =	shalt  }
0x6f: {  	_ =	shalt  }
0x70: {  	_ =	shalt  }
0x71: {  	_ =	shalt  }
0x72: {  	_ =	shalt  }
0x73: {  	_ =	shalt  }
0x74: {  	_ =	shalt  }
0x75: {  	_ =	shalt  }
0x76: {  	_ =	shalt  }
0x77: {  	_ =	shalt  }
0x78: {  	_ =	shalt  }
0x79: {  	_ =	shalt  }
0x7a: {  	_ =	shalt  }
0x7b: {  	_ =	shalt  }
0x7c: {  	_ =	shalt  }
0x7d: {  	_ =	shalt  }
0x7e: {  	_ =	shalt  }
0x7f: {  	_ =	shalt  }
0x80: {  	_ =	shalt  }
0x81: {  	_ =	shalt  }
0x82: {  	_ =	shalt  }
0x83: {  	_ =	shalt  }
0x84: {  	_ =	shalt  }
0x85: {  	_ =	shalt  }
0x86: {  	_ =	shalt  }
0x87: {  	_ =	shalt  }
.Lfunc_end0:
.L_simem_size_0:
called_computation_lowered:
.L_overlay_start_0:
0x88: {  	s2 =	sld [smem:$0x3FD9]  }
0x89: {  	s3 =	sld [smem:$0x3FFE];
	_ =	sdelay $0x1  }
0x8a: {  	s1 =	srdreg.scid  }
0x8b: {  	s0 =	sand.u32 $0x1, s1  }
0x8c: {  	s18 =	sshll.u32 s0, $0xA;
	s2 =	sadd.s32 s3, s2  }
0x8d: {  	s2 =	sadd.s32 s2, s18  }
0x8e: {  	[smem:$0x3FC6] =	sst s2  }
0x8f: {  	_ = 	snop  }
0x90: {  	s2 =	sld [smem:$0x3FC9]  }
0x91: {  	s19 =	sld [smem:$0x3FC8]  }
0x92: {  	s4 =	sld [smem:$0x3FD0];
	(tm) =	ssettm $0x1  }
0x93: {  	s5 =	sld [smem:$0x3FFB];
	_ =	sdelay $0x3  }
0x94: {  	_ =	strace s5  }
0x95: {  	s5 =	sld [smem:$0x3FFC];
	_ =	sdelay $0x3  }
0x96: {  	_ =	strace s5  }
0x97: {  	s5 =	sld [smem:$0x3FFD];
	_ =	sdelay $0x3  }
0x98: {  	_ =	strace s5  }
0x99: {  	_ =	strace $0x8FFFFFFF  }
0x9a: {  	s20 =	sld [smem:$0x3FDB];
	_ =	sdelay $0x1  }
0x9b: {  	s6 =	simm.s32 $_scs_section_size  }
0x9c: {  	s7 =	simm.s32 $_size__tile_overlayer_lowered;
	s8 =	simm.s32 $_tile_overlayer_lowered  }
0x9d: {  	s23 =	simm.s32 $0x1BFF;
	s22 =	sshll.u32 s8, $0x1;
	s5 =	sadd.s32 s6, s20  }
0x9e: {  	s9 =	simm.s32 $0x0;
	s21 =	sshll.u32 s7, $0x1;
	s7 =	sadd.s32 s22, s5  }
0x9f: {  	[timem:s9], [sflag:s23] =	dma.local [hbm:s7], s21  }
0xa0: {  	_ =	swait.ge [sflag:s23], s21  }
0xa1: {  	s6 =	ssub.s32 $0x0, s21;
	[sflag:s23] =	ssyncset.done $0x0  }
0xa2: {  	[sflag:s23] =	ssyncadd.s32 s6;
	_ =	sdelay $0x1  }
0xa3: {  	s24 =	simm.s32 $0x1B8B  }
0xa4: {  	_ =	swait.ge [sflag:s24], $0x1  }
0xa5: {  	[sflag:s24] =	ssyncset.done $0x0  }
0xa6: {  	s25 =	simm.s32 $0x1B8E;
	[sflag:s24] =	ssyncadd.s32 $0xFFFFFFFF  }
0xa7: {  	s26 =	simm.s32 $execute0_lowered;
	[smem:$0x3FD2] =	sst s25  }
0xa8: {  	s6 =	sshll.u32 s26, $0x1;
	_ =	strace $0x80000046;
	[dreg:$0x1] =	wrdreg $0xFFFFFFFF  }
0xa9: {  	s28 =	simm.s32 $_size_execute0_lowered;
	s5 =	sadd.s32 s5, s6;
	[dreg:$0x0] =	wrdreg $0x0  }
0xaa: {  	s6 =	sshll.u32 s28, $0x1;
	[dreg:$0x2] =	wrdreg s5  }
0xab: {  	[dreg:$0x3] =	wrdreg s6  }
0xac: {  	[dreg:$0x4] =	wrdreg $0xC0  }
0xad: {  	_ =	task [dreg:s9], $0x5FFFF  }
0xae: {  	[dreg:$0x1] =	wrdreg $0xFFFFFFFF  }
0xaf: {  	[dreg:$0x0] =	wrdreg $0x60  }
0xb0: {  	[dreg:$0x2] =	wrdreg s2  }
0xb1: {  	[dreg:$0x3] =	wrdreg s19  }
0xb2: {  	[dreg:$0x4] =	wrdreg s4  }
0xb3: {  	[dreg:$0x5] =	wrdreg $0x180800  }
0xb4: {  	[dreg:$0x6] =	wrdreg $0x9  }
0xb5: {  	_ =	task.clear_ibuf [dreg:s9], $0x7FFFF;
	_ =	strace $0x90000046  }
0xb6: {  	s29 =	simm.s32 $0x9;
	_ =	strace $0x80000048  }
0xb7: {  	_ =	swait.ge [sflag:s29], $0x1  }
0xb8: {  	[sflag:s29] =	ssyncadd.s32 $0xFFFFFFFF  }
0xb9: {  	_ =	strace $0x90000048  }
0xba: {  	_ =	sfence  }
0xbb: {  	s30 =	sld [smem:$0x0];
	_ =	sdelay $0x2  }
0xbc: {  	s31 =	sshll.u32 s1, $0xD;
	s1 =	sshrl.u32 s1, $0x2  }
0xbd: {  	s3 =	sand.u32 $0x4000, s31;
	s1 =	sadd.s32 s1, s30  }
0xbe: {  	s0 =	sor.u32 s3, s0;
	s1 =	sshll.u32 s1, $0x11  }
0xbf: {  	s0 =	sor.u32 s1, s0  }
0xc0: {  	s0 =	sadd.s32 $0x8F2B, s0  }
0xc1: {  	[sflag:s0] =	ssyncadd.remote.s32 $0x1  }
0xc2: {  	_ =	sfence.sel $0xFFFF  }
0xc3: {  	[dreg:$0x0] =	wrdreg $0xFFFFFFFF;
	(pc) =	sbr.abs _section_cstart, $3  }
0xc4: {  	[dreg:$0x1] =	wrdreg $0xFFFFFFFF  }
0xc5: {  	_ =	task.clear_ibuf [dreg:s9], $0x2FFFF;
	_ =	strace $0x9FFFFFFF  }
0xc6: {  	(tm) =	ssettm $0x7FFFFFFF  }
0xc7: {  	_ =	shalt  }
tec
execute0_lowered:
.L_overlay_start_1:
0x0: {  	(tag) =	ssettag $0x1  }
0x1: {  	s1 =	rddreg [dreg:$0x0]  }
0x2: {  	s2 =	rddreg [dreg:$0x1]  }
0x3: {  	s0 =	rddreg [dreg:$0x2]  }
0x4: {  	s3 =	rddreg [dreg:$0x3];
	s5 =	simm.s32 $0x0  }
0x5: {  	s4 =	srdreg.scid;
	s14 =	stileid.u32;
	s28 =	simm.s32 $0xC  }
0x6: {  	s29 =	simm.s32 $0x1;
	s30 =	simm.s32 $0x8800;
	s31 =	simm.s32 $0x2  }
0x7: {  	[smem:$0x7FF] =	sst s5;
	s4 =	sand.u32 $0x1, s4;
	s9 =	sshll.u32 s14, $0x7  }
0x8: {  	s10 =	ssub.s32 $0x95, s14;
	s17 =	sadd.s32 $0x1860, s2;
	s18 =	sshll.u32 s14, $0xC  }
0x9: {  	p0 =	sne.s32 s14, $0xF;
	p1 =	sgt.u32 s14, $0x5;
	_ =	strace $0x80000047  }
0xa: {  	s7 =	ssub.s32 $0x2, s4;
	s6 =	sor.u32 $0x8000, s9;
	s13 =	sor.u32 $0x8800, s9  }
0xb: {  	[dreg:$0x9] =	wrdreg s17;
	s19 =	sor.u32 $0xA800, s9;
	s9 =	sor.u32 $0xB000, s9  }
0xc: {  	p2 =	sne.s32 @p1 s14, $0xF;
	s8 =	sshrl.u32 s7, $0x1;
	s24 =	sshrl.u32 s6, $0x3  }
0xd: {  	s12 =	sshll.u32 s6, $0x8;
	s26 =	sshll.u32 s13, $0x8;
	s13 =	sshrl.u32 s13, $0x3  }
0xe: {  	s20 =	sshll.u32 s19, $0x8;
	s21 =	sshrl.u32 s19, $0x3;
	s22 =	sshll.u32 s9, $0x8  }
0xf: {  	s9 =	sshrl.u32 s9, $0x3;
	p2 =	por p2, !p1;
	s11 =	ssub.s32 s7, s8  }
0x10: {  	s7 =	sshrl.u32 s10, $0x4;
	s8 =	sshll.u32 s4, $0xA;
	s10 =	sadd.s32 s2, s24  }
0x11: {  	s15 =	sadd.s32 s2, s13;
	s4 =	sshll.u32 s4, $0x7;
	s24 =	sshll.u32 s14, $0xD  }
0x12: {  	[dreg:$0x5] =	wrdreg s10;
	s25 =	sor.u32 s8, s12;
	s12 =	sor.u32 s8, s26  }
0x13: {  	[dreg:$0x7] =	wrdreg s15;
	s4 =	sadd.s32 s4, s1;
	s15 =	sadd.s32 s18, s3  }
0x14: {  	s23 =	sor.u32 s8, s22;
	s18 =	sadd.s32 s2, s9;
	s26 =	smax.u32 s11, $0x1  }
0x15: {  	s22 =	simm.s32 $0x400;
	s9 =	simm.s32 $0x8;
	s10 =	sshrl.u32 s25, $0x3  }
0x16: {  	s16 =	sshrl.u32 s12, $0x3;
	s4 =	sadd.s32 $0x186000, s4;
	[dreg:$0xc] =	wrdreg s26  }
0x17: {  	s10 =	sadd.s32 s1, s10;
	[dreg:$0xa] =	wrdreg s4;
	s4 =	sor.u32 s8, s20  }
0x18: {  	[dreg:$0x6] =	wrdreg s10;
	s10 =	sadd.s32 s1, s16;
	s4 =	sshrl.u32 s4, $0x3  }
0x19: {  	s16 =	sadd.s32 s2, s21;
	[dreg:$0x8] =	wrdreg s10;
	s17 =	sadd.s32 s1, s4  }
0x1a: {  	s4 =	sshrl.u32 s23, $0x3;
	s10 =	sor.u32 s8, s24;
	s23 =	simm.s32 $0x800  }
0x1b: {  	s24 =	simm.s32 $0x80;
	s19 =	sadd.s32 s1, s4;
	s25 =	sshrl.u32 s10, $0x3  }
0x1c: {  	s4 =	simm.s32 $0x7;
	s10 =	simm.s32 $0x0;
	s0 =	sadd.s32 s0, s25  }
0x1d: {  	v0 =	vimm.f32 $0.0e+00;
	s25 =	simm.s32 $0x4800;
	[dreg:$0xb] =	wrdreg s0;
	s0 =	simm.s32 $0x3  }
.LBB2_1:
0x1e: {  	s11 =	rddreg [dreg:$0x5]  }
0x1f: {  	s20 =	rddreg [dreg:$0x6]  }
0x20: {  	[tilespmem:s5], [sflag:$0x1] =	stream.linear.gather [hbm4b:s11+s5], $0x80, $0x38;
	[tilespmem:$0x19080] =	vst v63  }
0x21: {  	s21 =	rddreg [dreg:$0x7]  }
0x22: {  	[tilespmem:s23], [sflag:$0x1] =	stream.strided.gather [hbm4b:s20+s22], $0x4000, s23, s22, $0x38;
	[tilespmem:$0x19080] =	vst v63  }
0x23: {  	s26 =	rddreg [dreg:$0x8]  }
0x24: {  	[tilespmem:s24], [sflag:$0x2] =	stream.linear.gather [hbm4b:s21+s5], $0x80, $0x38;
	[tilespmem:$0x19080] =	vst v63  }
0x25: {  	s13 =	rddreg [dreg:$0x9]  }
0x26: {  	[tilespmem:s25], [sflag:$0x2] =	stream.strided.gather [hbm4b:s26+s22], $0x4000, s23, s22, $0x38;
	[tilespmem:$0x19080] =	vst v63  }
0x27: {  	s12 =	simm.s32 @!p0 $0x14800;
	s14 =	rddreg [dreg:$0xa];
	s11 =	simm.s32 @!p0 $0x0  }
0x28: {  	[tilespmem:s12], [sflag:$0xB] =	stream.linear.gather @!p0 [hbm4b:s13+s11], $0x50, $0x38;
	[tilespmem:$0x19080] =	vst v63  }
0x29: {  	s11 =	simm.s32 @!p0 $0x400;
	s12 =	simm.s32 @!p0 $0x800;
	s13 =	simm.s32 @!p0 $0x14880  }
0x2a: {  	[tilespmem:s13], [sflag:$0xB] =	stream.strided.gather @!p0 [hbm4b:s14+s11], $0x2800, s12, s11, $0x38;
	[tilespmem:$0x19080] =	vst v63  }
0x2b: {  	s11 =	simm.s32 $0x0;
	s12 =	simm.s32 $0x200  }
.LBB2_2:
0x2c: {  	p3 =	sne.s32 s12, $0x3E00;
	[tilespmem:s11+$0x170F0] =	vst v0  }
0x2d: {  	[tilespmem:s11+$0x17080] =	vst v0  }
0x2e: {  	[tilespmem:s11+$0x17090] =	vst v0  }
.Ltmp0:
0x2f: {  	[tilespmem:s11+$0x170A0] =	vst v0;
	(pc) =	sbr.rel @p3 .LBB2_2-.Ltmp0, $4  }
0x30: {  	[tilespmem:s11+$0x170B0] =	vst v0  }
0x31: {  	[tilespmem:s11+$0x170C0] =	vst v0  }
0x32: {  	[tilespmem:s11+$0x170D0] =	vst v0  }
0x33: {  	[tilespmem:s11+$0x170E0] =	vst v0;
	s11 =	sshra.s32 s12, $0x2;
	s12 =	sadd.s32 $0x200, s12  }
0x34: {  	[tilespmem:s11+$0x170F0] =	vst v0  }
0x35: {  	[tilespmem:s11+$0x17080] =	vst v0  }
0x36: {  	[tilespmem:s11+$0x17090] =	vst v0  }
0x37: {  	[tilespmem:s11+$0x170A0] =	vst v0  }
0x38: {  	[tilespmem:s11+$0x170B0] =	vst v0  }
0x39: {  	[tilespmem:s11+$0x170C0] =	vst v0  }
0x3a: {  	[tilespmem:s11+$0x170D0] =	vst v0  }
0x3b: {  	[tilespmem:s11+$0x170E0] =	vst v0;
	s26 =	simm.s32 $0x17080  }
0x3c: {  	[spmem:s15] =	stream.linear.scatter [tilespmem:s26], [sflag:$0xC], $0x1000, $0x38;
	[tilespmem:$0x19080] =	vst v63  }
0x3d: {  	_ =	swait.ge [sflag:s28], $0x1000  }
0x3e: {  	[sflag:s28] =	ssyncset.done $0x0  }
0x3f: {  	s11 =	simm.s32 $0x0;
	[sflag:s28] =	ssyncadd.s32 $0xFFFFF000  }
0x40: {  	p3 =	por $0x1, $0x1;
	p4 =	por $0x0, $0x0;
	[bflag:$0x0] =	sbarrier.arrive $0xFFFF  }
.LBB2_4:
0x41: {  	s12 =	simm.s32 @p4 $0x6  }
0x42: {  	_ =	swait.ge @p4 [sflag:s12], $0x4000  }
0x43: {  	[sflag:s12] =	ssyncset.done @p4 $0x0  }
0x44: {  	s13 =	simm.s32 @p4 $0x280;
	[sflag:s12] =	ssyncadd.s32 @p4 $0xFFFFC000;
	s12 =	simm.s32 @p4 $0x0  }
0x45: {  	[tilespmem:s13], [sflag:$0x1] =	stream.linear.gather @p4 [hbm4b:s16+s12], $0x80, $0x38;
	[tilespmem:$0x19080] =	vst v63  }
0x46: {  	s14 =	simm.s32 @p4 $0x800;
	s20 =	simm.s32 @p4 $0x5;
	s13 =	simm.s32 @p4 $0x400  }
0x47: {  	[tilespmem:s14], [sflag:$0x1] =	stream.strided.gather @p4 [hbm4b:s17+s13], $0x4000, s14, s13, $0x38;
	[tilespmem:$0x19080] =	vst v63  }
0x48: {  	_ =	swait.ge @p4 [sflag:s20], $0x80  }
0x49: {  	[sflag:s20] =	ssyncset.done @p4 $0x0  }
0x4a: {  	[sflag:s20] =	ssyncadd.s32 @p4 $0xFFFFFF80  }
0x4b: {  	_ =	swait.ge @p4 [sflag:s20], $0x4000  }
0x4c: {  	s21 =	simm.s32 @p4 $0x200;
	[sflag:s20] =	ssyncset.done @p4 $0x0  }
0x4d: {  	s26 =	simm.s32 @p4 $0x10800;
	[sflag:s20] =	ssyncadd.s32 @p4 $0xFFFFC000;
	s20 =	simm.s32 @p4 $0x80  }
0x4e: {  	[spmem:s3] =	stream.indirect.scatter.add.f32 @p4 [tilespmem:s26], [sflag:$0xA], $0x80, s21, s20, $0xb8;
	[tilespmem:$0x19080] =	vst v63  }
0x4f: {  	s20 =	simm.s32 @p4 $0x7  }
0x50: {  	_ =	swait.ge @p4 [sflag:s20], $0x4000  }
0x51: {  	[sflag:s20] =	ssyncset.done @p4 $0x0  }
0x52: {  	[sflag:s20] =	ssyncadd.s32 @p4 $0xFFFFC000;
	s20 =	simm.s32 @p4 $0x300  }
0x53: {  	[tilespmem:s20], [sflag:$0x2] =	stream.linear.gather @p4 [hbm4b:s18+s12], $0x80, $0x38;
	[tilespmem:$0x19080] =	vst v63  }
0x54: {  	s12 =	simm.s32 @p4 $0x4800  }
0x55: {  	[tilespmem:s12], [sflag:$0x2] =	stream.strided.gather @p4 [hbm4b:s19+s13], $0x4000, s14, s13, $0x38;
	[tilespmem:$0x19080] =	vst v63  }
0x56: {  	_ =	swait.ge [sflag:s29], $0x80  }
0x57: {  	s20 =	sor.u32 $0x2, s11;
	[sflag:s29] =	ssyncset.done $0x0  }
0x58: {  	s21 =	sshll.u32 s20, $0xB;
	[sflag:s29] =	ssyncadd.s32 $0xFFFFFF80  }
0x59: {  	s12 =	simm.s32 $0x0;
	s13 =	simm.s32 @p4 $0x8;
	_ =	swait.ge [sflag:s29], $0x4000  }
0x5a: {  	s14 =	sor.u32 s6, s21;
	s12 =	simm.s32 @p4 $0xA00;
	[sflag:s29] =	ssyncset.done $0x0  }
0x5b: {  	s26 =	sshrl.u32 s14, $0x3;
	s12 =	sshrl.u32 s12, $0x2;
	[sflag:s29] =	ssyncadd.s32 $0xFFFFC000  }
0x5c: {  	[spmem:s3] =	stream.indirect.scatter.add.f32 [tilespmem:s23], [sflag:$0x6], $0x80, s12, s24, $0xb8;
	[tilespmem:$0x19080] =	vst v63  }
0x5d: {  	s21 =	sadd.s32 s2, s26;
	_ =	swait.ge @p4 [sflag:s13], $0x4000  }
0x5e: {  	s26 =	sshll.u32 s14, $0x8;
	s12 =	sshll.u32 s20, $0x7;
	[sflag:s13] =	ssyncset.done @p4 $0x0  }
0x5f: {  	s12 =	sand.u32 $0x3FFFFF80, s12;
	[sflag:s13] =	ssyncadd.s32 @p4 $0xFFFFC000;
	s13 =	sor.u32 s8, s26  }
0x60: {  	[tilespmem:s12], [sflag:$0x3] =	stream.linear.gather [hbm4b:s21+s5], $0x80, $0x38;
	[tilespmem:$0x19080] =	vst v63  }
0x61: {  	s13 =	sshrl.u32 s13, $0x3  }
0x62: {  	s13 =	sadd.s32 s1, s13  }
0x63: {  	[tilespmem:s30], [sflag:$0x3] =	stream.strided.gather [hbm4b:s13+s22], $0x4000, s23, s22, $0x38;
	[tilespmem:$0x19080] =	vst v63  }
0x64: {  	_ =	swait.ge [sflag:s31], $0x80  }
0x65: {  	[sflag:s31] =	ssyncset.done $0x0  }
0x66: {  	[sflag:s31] =	ssyncadd.s32 $0xFFFFFF80  }
0x67: {  	s13 =	simm.s32 $0x200;
	_ =	swait.ge [sflag:s31], $0x4000  }
0x68: {  	s13 =	simm.s32 @p4 $0xC00;
	[sflag:s31] =	ssyncset.done $0x0  }
0x69: {  	s13 =	sshrl.u32 s13, $0x2;
	[sflag:s31] =	ssyncadd.s32 $0xFFFFC000  }
0x6a: {  	[spmem:s3] =	stream.indirect.scatter.add.f32 [tilespmem:s25], [sflag:$0x7], $0x80, s13, s24, $0xb8;
	[tilespmem:$0x19080] =	vst v63  }
0x6b: {  	s13 =	sadd.s32 $0x3, s11  }
0x6c: {  	s14 =	simm.s32 @p4 $0x9;
	p5 =	sge.u32 s13, s7  }
0x6d: {  	_ =	swait.ge @p4 [sflag:s14], $0x4000;
	s20 =	sshll.u32 @!p5 s13, $0xB  }
0x6e: {  	[sflag:s14] =	ssyncset.done @p4 $0x0;
	s20 =	sor.u32 @!p5 s6, s20  }
0x6f: {  	s13 =	sshll.u32 @!p5 s13, $0x7;
	[sflag:s14] =	ssyncadd.s32 @p4 $0xFFFFC000;
	s14 =	sshrl.u32 @!p5 s20, $0x3  }
0x70: {  	s21 =	simm.s32 @!p5 $0x0;
	s13 =	sand.u32 @!p5 $0x3FFFFF80, s13;
	s14 =	sadd.s32 @!p5 s2, s14  }
0x71: {  	[tilespmem:s13], [sflag:$0x4] =	stream.linear.gather @!p5 [hbm4b:s14+s21], $0x80, $0x38;
	[tilespmem:$0x19080] =	vst v63  }
0x72: {  	s14 =	sshll.u32 @!p5 s20, $0x8  }
0x73: {  	s14 =	sor.u32 @!p5 s8, s14  }
0x74: {  	s26 =	simm.s32 @!p5 $0xC800;
	s14 =	sshrl.u32 @!p5 s14, $0x3  }
0x75: {  	s20 =	simm.s32 @!p5 $0x400;
	s21 =	simm.s32 @!p5 $0x800;
	s14 =	sadd.s32 @!p5 s1, s14  }
0x76: {  	[tilespmem:s26], [sflag:$0x4] =	stream.strided.gather @!p5 [hbm4b:s14+s20], $0x4000, s21, s20, $0x38;
	[tilespmem:$0x19080] =	vst v63  }
0x77: {  	_ =	swait.ge [sflag:s0], $0x80  }
0x78: {  	[sflag:s0] =	ssyncset.done $0x0  }
0x79: {  	[sflag:s0] =	ssyncadd.s32 $0xFFFFFF80  }
0x7a: {  	_ =	swait.ge [sflag:s0], $0x4000  }
0x7b: {  	[sflag:s0] =	ssyncset.done $0x0  }
0x7c: {  	s11 =	sadd.s32 $0x4, s11;
	[sflag:s0] =	ssyncadd.s32 $0xFFFFC000  }
0x7d: {  	[spmem:s3] =	stream.indirect.scatter.add.f32 [tilespmem:s30], [sflag:$0x8], $0x80, s12, s24, $0xb8;
	[tilespmem:$0x19080] =	vst v63  }
0x7e: {  	p6 =	sge.u32 s11, s7;
	s12 =	simm.s32 @p4 $0xA  }
0x7f: {  	s14 =	sshll.u32 @!p6 s11, $0xB;
	_ =	swait.ge @p4 [sflag:s12], $0x4000  }
0x80: {  	s14 =	sor.u32 @!p6 s6, s14;
	[sflag:s12] =	ssyncset.done @p4 $0x0  }
0x81: {  	s11 =	sshll.u32 @!p6 s11, $0x7;
	[sflag:s12] =	ssyncadd.s32 @p4 $0xFFFFC000;
	s12 =	sshrl.u32 @!p6 s14, $0x3  }
0x82: {  	s20 =	simm.s32 @!p6 $0x0;
	s11 =	sand.u32 @!p6 $0x3FFFFF80, s11;
	s12 =	sadd.s32 @!p6 s2, s12  }
0x83: {  	[tilespmem:s11], [sflag:$0x5] =	stream.linear.gather @!p6 [hbm4b:s12+s20], $0x80, $0x38;
	[tilespmem:$0x19080] =	vst v63  }
0x84: {  	s11 =	sshll.u32 @!p6 s14, $0x8  }
0x85: {  	s11 =	sor.u32 @!p6 s8, s11  }
0x86: {  	s12 =	simm.s32 @!p6 $0x400;
	s11 =	sshrl.u32 @!p6 s11, $0x3  }
0x87: {  	s14 =	simm.s32 @!p6 $0x800;
	s20 =	simm.s32 @!p6 $0x10800;
	s11 =	sadd.s32 @!p6 s1, s11  }
0x88: {  	[tilespmem:s20], [sflag:$0x5] =	stream.strided.gather @!p6 [hbm4b:s11+s12], $0x4000, s14, s12, $0x38;
	[tilespmem:$0x19080] =	vst v63  }
0x89: {  	s11 =	simm.s32 @!p5 $0x4  }
0x8a: {  	_ =	swait.ge @!p5 [sflag:s11], $0x80  }
0x8b: {  	[sflag:s11] =	ssyncset.done @!p5 $0x0  }
0x8c: {  	[sflag:s11] =	ssyncadd.s32 @!p5 $0xFFFFFF80  }
0x8d: {  	_ =	swait.ge @!p5 [sflag:s11], $0x4000  }
0x8e: {  	[sflag:s11] =	ssyncset.done @!p5 $0x0  }
0x8f: {  	[sflag:s11] =	ssyncadd.s32 @!p5 $0xFFFFC000;
	s11 =	simm.s32 @!p5 $0x80  }
0x90: {  	[spmem:s3] =	stream.indirect.scatter.add.f32 @!p5 [tilespmem:s26], [sflag:$0x9], $0x80, s13, s11, $0xb8;
	[tilespmem:$0x19080] =	vst v63  }
0x91: {  	p5 =	por p3, p3  }
.Ltmp1:
0x92: {  	_ = 	snop;
	(pc) =	sbr.rel @p5 .LBB2_4-.Ltmp1, $2  }
0x93: {  	_ =	sdelay $0x2  }
0x94: {  	p4 =	por $0x1, $0x1;
	s11 =	simm.s32 $0x5;
	p3 =	por $0x0, $0x0  }
0x95: {  	s11 =	simm.s32 $0x6  }
0x96: {  	_ =	swait.ge [sflag:s11], $0x4000  }
0x97: {  	[sflag:s11] =	ssyncset.done $0x0  }
0x98: {  	[sflag:s11] =	ssyncadd.s32 $0xFFFFC000  }
0x99: {  	_ =	swait.ge [sflag:s4], $0x4000  }
0x9a: {  	[sflag:s4] =	ssyncset.done $0x0  }
0x9b: {  	[sflag:s4] =	ssyncadd.s32 $0xFFFFC000  }
0x9c: {  	_ =	swait.ge [sflag:s9], $0x4000  }
0x9d: {  	[sflag:s9] =	ssyncset.done $0x0  }
0x9e: {  	s11 =	simm.s32 @!p2 $0xB;
	[sflag:s9] =	ssyncadd.s32 $0xFFFFC000  }
0x9f: {  	_ =	swait.ge @!p2 [sflag:s11], $0x50  }
0xa0: {  	[sflag:s11] =	ssyncset.done @!p2 $0x0  }
0xa1: {  	[sflag:s11] =	ssyncadd.s32 @!p2 $0xFFFFFFB0  }
0xa2: {  	_ =	swait.ge @!p2 [sflag:s11], $0x2800  }
0xa3: {  	s12 =	simm.s32 @!p2 $0x14800;
	[sflag:s11] =	ssyncset.done @!p2 $0x0  }
0xa4: {  	s13 =	simm.s32 @!p2 $0x14880;
	[sflag:s11] =	ssyncadd.s32 @!p2 $0xFFFFD800;
	s11 =	simm.s32 @!p2 $0x50  }
0xa5: {  	[spmem:s3] =	stream.indirect.scatter.add.f32 @!p2 [tilespmem:s13], [sflag:$0xC], $0x80, s12, s11, $0xb8;
	[tilespmem:$0x19080] =	vst v63  }
0xa6: {  	s11 =	simm.s32 @!p2 $0xC  }
0xa7: {  	_ =	swait.ge @!p2 [sflag:s11], $0x2800  }
0xa8: {  	[sflag:s11] =	ssyncset.done @!p2 $0x0  }
0xa9: {  	[sflag:s11] =	ssyncadd.s32 @!p2 $0xFFFFD800;
	s11 =	simm.s32 @!p1 $0x9  }
0xaa: {  	_ =	swait.ge @!p1 [sflag:s11], $0x4000  }
0xab: {  	[sflag:s11] =	ssyncset.done @!p1 $0x0  }
0xac: {  	s14 =	stileid.u32;
	[sflag:s11] =	ssyncadd.s32 @!p1 $0xFFFFC000  }
0xad: {  	s20 =	sshrl.u32 s15, $0x3;
	s11 =	sshll.u32 s14, $0x6;
	[bflag:$0x0] =	sbarrier.arrive $0xFFFF  }
0xae: {  	s14 =	simm.s32 $0x100;
	s11 =	sor.u32 $0x1C0C, s11;
	s21 =	rddreg [dreg:$0xb]  }
0xaf: {  	[hbm:s21@s14], [sflag:s11] =	dma.strided [spmem:s20@s24], $0x200, s9, $0x10   }
0xb0: {  	_ =	swait.ge [sflag:s28], $0x200  }
0xb1: {  	s10 =	sadd.s32 $0x1, s10;
	s26 =	rddreg [dreg:$0xc]  }
0xb2: {  	p3 =	sne.s32 s10, s26  }
.Ltmp2:
0xb3: {  	_ = 	snop;
	(pc) =	sbr.rel @p3 .LBB2_1-.Ltmp2, $3  }
0xb4: {  	_ =	sdelay $0x1  }
0xb5: {  	[sflag:s28] =	ssyncset.done $0x0  }
0xb6: {  	[sflag:s28] =	ssyncadd.s32 $0xFFFFFE00  }
0xb7: {  	_ =	sfence.sel $0x180000  }
0xb8: {  	[bflag:$0x0] =	sbarrier.arrive $0xFFFF  }
0xb9: {  	_ =	strace $0x90000047  }
0xba: {  	s0 =	stileid.u32;
	[bflag:$0x2] =	sbarrier.arrive $0xFFFF  }
0xbb: {  	p0 =	sne.s32 s0, $0x0;
	s0 =	rddreg [dreg:$0x4]  }
0xbc: {  	s0 =	sadd.s32 @!p0 $0x100000, s0  }
0xbd: {  	[sflag:s0] =	ssyncadd.tile.s32 @!p0 $0x1;
	_ =	shalt  }
.Lfunc_end2:
_tile_overlayer_lowered:
.L_overlay_start_2:
0xbe: {  	(tag) =	ssettag $0x2  }
0xbf: {  	s0 =	rddreg [dreg:$0x0];
	s2 =	stileid.u32  }
0xc0: {  	s1 =	rddreg [dreg:$0x1];
	p0 =	sne.s32 s2, $0x0  }
0xc1: {  	s3 =	rddreg [dreg:$0x2];
	[bflag:$0x3] =	sbarrier.arrive $0xFFFF;
	s2 =	simm.s32 @!p0 $0x1C0C  }
0xc2: {  	[timem:s3], [sflag:s2] =	dma.local @!p0 [hbm:s0], s1  }
0xc3: {  	s0 =	simm.s32 @!p0 $0xC  }
0xc4: {  	_ =	swait.ge @!p0 [sflag:s0], s1  }
0xc5: {  	s1 =	ssub.s32 @!p0 $0x0, s1;
	[sflag:s0] =	ssyncset.done @!p0 $0x0  }
0xc6: {  	[sflag:s0] =	ssyncadd.s32 @!p0 s1  }
0xc7: {  	[bflag:$0x3] =	sbarrier.arrive $0xFFFF  }
0xc8: {  	_ =	shalt  }

</sc_bundles>
